<compile_context>
chip_gen: v7x
topology: tpu7x:2x2x1
jax: 0.10.2.dev20260603
libtpu: 0.0.44.dev20260713+nightly
codegen_flags: <defaults>
</compile_context>

<pallas_src>
import functools

import jax
import jax.numpy as jnp
from jax import lax
from jax.experimental import pallas as pl
from jax.experimental.pallas import tpu as pltpu
from jax.experimental.pallas import tpu_sc as plsc

B = 16384
D = 32
NC = 2
NS = 16
L = 16
NW = NC * NS
BPW = B // NW
CHUNK = 128
NCH = BPW // CHUNK

BC = 65536


def _mv_body(x_ref, w_ref, b_ref, o_ref):
    o_ref[...] = jnp.sum(x_ref[...] * w_ref[...], axis=0) + b_ref[0, 0]


def _matvec(table_t, w, bias):
    n = table_t.shape[1]
    grid = pl.cdiv(n, BC)
    return pl.pallas_call(
        _mv_body,
        grid=(grid,),
        in_specs=[
            pl.BlockSpec((D, BC), lambda i: (0, i)),
            pl.BlockSpec((D, 1), lambda i: (0, 0)),
            pl.BlockSpec((1, 1), lambda i: (0, 0)),
        ],
        out_specs=pl.BlockSpec((BC,), lambda i: (i,)),
        out_shape=jax.ShapeDtypeStruct((n,), jnp.float32),
    )(table_t, w, bias)


_mesh = plsc.VectorSubcoreMesh(core_axis_name="c", subcore_axis_name="s")


@functools.partial(
    pl.kernel,
    out_type=jax.ShapeDtypeStruct((B,), jnp.float32),
    mesh=_mesh,
    compiler_params=pltpu.CompilerParams(
        needs_layout_passes=False, use_tc_tiling_on_sc=False),
    scratch_types=[
        pltpu.VMEM((NCH, CHUNK), jnp.int32),
        pltpu.VMEM((BPW,), jnp.float32),
        pltpu.SemaphoreType.DMA,
    ],
)
def _sc_gather_movie(movies_hbm, sm_hbm, out_hbm, midx_v, sm_v, sem):
    wid = lax.axis_index("s") * NC + lax.axis_index("c")
    pltpu.sync_copy(movies_hbm.at[pl.ds(wid * NCH, NCH)], midx_v)
    copies = [
        pltpu.async_copy(
            sm_hbm.at[midx_v.at[j]], sm_v.at[pl.ds(j * CHUNK, CHUNK)], sem)
        for j in range(NCH)
    ]
    for c in copies:
        c.wait()
    pltpu.sync_copy(sm_v, out_hbm.at[pl.ds(wid * BPW, BPW)])


@functools.partial(
    pl.kernel,
    out_type=jax.ShapeDtypeStruct((B,), jnp.float32),
    mesh=_mesh,
    compiler_params=pltpu.CompilerParams(
        needs_layout_passes=False, use_tc_tiling_on_sc=False),
    scratch_types=[
        pltpu.VMEM((NCH, CHUNK), jnp.int32),
        pltpu.VMEM((BPW,), jnp.float32),
        pltpu.VMEM((BPW,), jnp.float32),
        pltpu.SemaphoreType.DMA,
    ],
)
def _sc_gather_user_add(users_hbm, su_hbm, smg_hbm, out_hbm,
                        uidx_v, su_v, sm_v, sem):
    wid = lax.axis_index("s") * NC + lax.axis_index("c")
    pltpu.sync_copy(users_hbm.at[pl.ds(wid * NCH, NCH)], uidx_v)
    pltpu.sync_copy(smg_hbm.at[pl.ds(wid * BPW, BPW)], sm_v)
    copies = [
        pltpu.async_copy(
            su_hbm.at[uidx_v.at[j]], su_v.at[pl.ds(j * CHUNK, CHUNK)], sem)
        for j in range(NCH)
    ]
    for c in copies:
        c.wait()
    for i in range(BPW // L):
        sl = pl.ds(i * L, L)
        su_v[sl] = su_v[sl] + sm_v[sl]
    pltpu.sync_copy(su_v, out_hbm.at[pl.ds(wid * BPW, BPW)])


def kernel(users, movies, user_table, movie_table, W, b):
    wf = W.reshape(-1).astype(jnp.float32)
    wu = wf[:D].reshape(D, 1)
    wm = wf[D:].reshape(D, 1)
    bias = b.astype(jnp.float32).reshape(1, 1)
    zero = jnp.zeros((1, 1), jnp.float32)
    sm = _matvec(movie_table.T, wm, zero)
    m2 = movies.astype(jnp.int32).reshape(NW * NCH, CHUNK)
    smg = _sc_gather_movie(m2, sm)
    su = _matvec(user_table.T, wu, bias)
    u2 = users.astype(jnp.int32).reshape(NW * NCH, CHUNK)
    out = _sc_gather_user_add(u2, su, smg)
    return out.reshape(B, 1)

# --- scband reference (transcript-rebuilt; emitter-appended) ---
"""Pipeline reference for scband-rec-sys-model-18098992185853 (READ-ONLY COPY).

The authoritative reference and input builder live on the scoring server;
editing this copy changes nothing except your own understanding.
"""

import jax, jax.numpy as jnp
import numpy as np

N_USERS = 1000000
N_MOVIES = 100000
EMBED_DIM = 32
BATCH = 16384


def setup_inputs(seed: int = 0) -> dict:
    key = jax.random.key(seed)
    k1, k2, k3, k4, k5, k6 = jax.random.split(key, 6)
    users = jax.random.randint(k1, (BATCH,), 0, N_USERS, dtype=jnp.int64 if jax.config.jax_enable_x64 else jnp.int32)
    movies = jax.random.randint(k2, (BATCH,), 0, N_MOVIES, dtype=jnp.int64 if jax.config.jax_enable_x64 else jnp.int32)
    user_table = jax.random.normal(k3, (N_USERS, EMBED_DIM), dtype=jnp.float32)
    movie_table = jax.random.normal(k4, (N_MOVIES, EMBED_DIM), dtype=jnp.float32)
    # nn.Linear(64, 1): weight [1, 64], bias [1]
    W = jax.random.normal(k5, (1, 2 * EMBED_DIM), dtype=jnp.float32) * (1.0 / np.sqrt(2 * EMBED_DIM))
    b = jax.random.normal(k6, (1,), dtype=jnp.float32) * 0.01
    return {"users": users, "movies": movies, "user_table": user_table, "movie_table": movie_table, "W": W, "b": b}


def reference(users, movies, user_table, movie_table, W, b):
    user_embeds = jnp.take(user_table, users, axis=0)      # [B, 32] gather
    movie_embeds = jnp.take(movie_table, movies, axis=0)   # [B, 32] gather
    output = jnp.concatenate([user_embeds, movie_embeds], axis=1)  # [B, 64]
    output = output @ W.T + b                               # [B, 1]
    return output

if __name__ == "__main__":
    import jax
    _d = setup_inputs()
    print(jax.jit(kernel)(*tuple(_d.values())))

</pallas_src>

<mosaic_0001>
#map = affine_map<(d0, d1) -> (0, 0)>
#map1 = affine_map<(d0, d1) -> (0)>
module attributes {stable_mosaic.version = 14 : i64} {
  func.func @_sc_gather_user_add(%arg0: i32, %arg1: i32, %arg2: memref<128x128xi32, #tpu.memory_space<hbm>>, %arg3: memref<1000000xf32, #tpu.memory_space<hbm>>, %arg4: memref<16384xf32, #tpu.memory_space<hbm>>, %arg5: memref<16384xf32, #tpu.memory_space<hbm>>, %arg6: memref<4x128xi32, #tpu.memory_space<vmem>>, %arg7: memref<512xf32, #tpu.memory_space<vmem>>, %arg8: memref<512xf32, #tpu.memory_space<vmem>>, %arg9: memref<!tpu.dma_semaphore, #tpu.memory_space<semaphore_mem>>) attributes {dimension_semantics = [#tpu.dimension_semantics<core_parallel>, #tpu.dimension_semantics<subcore_parallel>], iteration_bounds = array<i64: 2, 16>, scalar_prefetch = 0 : i64, scratch_operands = 4 : i64, tpu.core_type = #tpu.core_type<sc_vector_subcore>, window_params = [{transform_indices = #map}, {transform_indices = #map1}, {transform_indices = #map1}, {transform_indices = #map1}]} {
    %mul3A = arith.constant 2 : i32
    %mul3A_0 = arith.muli %arg1, %mul3A : i32
    %add3A = arith.addi %mul3A_0, %arg0 : i32
    %mul3A_1 = arith.constant 4 : i32
    %mul3A_2 = arith.muli %add3A, %mul3A_1 : i32
    "tpu.region"() ({
      %run_scoped3A = tpu.sem_alloc : memref<!tpu.dma_semaphore, #tpu.memory_space<semaphore_mem>>
      %dma_start3A_291 = arith.constant 0 : i32
      %dma_start3A_292 = tpu.memref_slice %arg2[%mul3A_2, %dma_start3A_291] : memref<128x128xi32, #tpu.memory_space<hbm>> -> memref<4x128xi32, #tpu.memory_space<hbm>>
      %dma_start3A_293 = arith.constant 0 : i32
      %dma_start3A_294 = tpu.memref_slice %arg2[%mul3A_2, %dma_start3A_293] : memref<128x128xi32, #tpu.memory_space<hbm>> -> memref<4x128xi32, #tpu.memory_space<hbm>>
      tpu.enqueue_dma source(%dma_start3A_294 : memref<4x128xi32, #tpu.memory_space<hbm>>) target(%arg6 : memref<4x128xi32, #tpu.memory_space<vmem>>) target_semaphore(%run_scoped3A : memref<!tpu.dma_semaphore, #tpu.memory_space<semaphore_mem>>)
      %dma_wait3A_295 = arith.constant 0 : i32
      %dma_wait3A_296 = tpu.memref_slice %arg2[%mul3A_2, %dma_wait3A_295] : memref<128x128xi32, #tpu.memory_space<hbm>> -> memref<4x128xi32, #tpu.memory_space<hbm>>
      %dma_wait3A_297 = arith.constant 0 : i32
      %dma_wait3A_298 = tpu.memref_slice %arg2[%mul3A_2, %dma_wait3A_297] : memref<128x128xi32, #tpu.memory_space<hbm>> -> memref<4x128xi32, #tpu.memory_space<hbm>>
      tpu.wait_dma2 semaphore(%run_scoped3A : memref<!tpu.dma_semaphore, #tpu.memory_space<semaphore_mem>>) src(%dma_wait3A_298 : memref<4x128xi32, #tpu.memory_space<hbm>>) dst(%arg6 : memref<4x128xi32, #tpu.memory_space<vmem>>)
      tpu.yield
    }) : () -> ()
    %mul3A_3 = arith.constant 512 : i32
    %mul3A_4 = arith.muli %add3A, %mul3A_3 : i32
    "tpu.region"() ({
      %run_scoped3A = tpu.sem_alloc : memref<!tpu.dma_semaphore, #tpu.memory_space<semaphore_mem>>
      %dma_start3A_291 = tpu.memref_slice %arg4[%mul3A_4] : memref<16384xf32, #tpu.memory_space<hbm>> -> memref<512xf32, #tpu.memory_space<hbm>>
      %dma_start3A_292 = tpu.memref_slice %arg4[%mul3A_4] : memref<16384xf32, #tpu.memory_space<hbm>> -> memref<512xf32, #tpu.memory_space<hbm>>
      tpu.enqueue_dma source(%dma_start3A_292 : memref<512xf32, #tpu.memory_space<hbm>>) target(%arg8 : memref<512xf32, #tpu.memory_space<vmem>>) target_semaphore(%run_scoped3A : memref<!tpu.dma_semaphore, #tpu.memory_space<semaphore_mem>>)
      %dma_wait3A_293 = tpu.memref_slice %arg4[%mul3A_4] : memref<16384xf32, #tpu.memory_space<hbm>> -> memref<512xf32, #tpu.memory_space<hbm>>
      %dma_wait3A_294 = tpu.memref_slice %arg4[%mul3A_4] : memref<16384xf32, #tpu.memory_space<hbm>> -> memref<512xf32, #tpu.memory_space<hbm>>
      tpu.wait_dma2 semaphore(%run_scoped3A : memref<!tpu.dma_semaphore, #tpu.memory_space<semaphore_mem>>) src(%dma_wait3A_294 : memref<512xf32, #tpu.memory_space<hbm>>) dst(%arg8 : memref<512xf32, #tpu.memory_space<vmem>>)
      tpu.yield
    }) : () -> ()
    %dma_start3A = arith.constant 0 : i32
    %dma_start3A_5 = arith.constant 0 : i32
    %dma_start3A_6 = tpu.memref_slice %arg7[%dma_start3A_5] : memref<512xf32, #tpu.memory_space<vmem>> -> memref<128xf32, #tpu.memory_space<vmem>>
    %dma_start3A_7 = arith.constant 0 : i32
    %dma_start3A_8 = tpu.memref_slice %arg6[%dma_start3A, %dma_start3A_7] : memref<4x128xi32, #tpu.memory_space<vmem>> -> memref<1x128xi32, #tpu.memory_space<vmem>>
    %dma_start3A_9 = tpu.memref_squeeze %dma_start3A_8 : memref<1x128xi32, #tpu.memory_space<vmem>> -> memref<128xi32, #tpu.memory_space<vmem>>
    %dma_start3A_10 = arith.constant 0 : i32
    %dma_start3A_11 = tpu.memref_slice %arg3[%dma_start3A_10] : memref<1000000xf32, #tpu.memory_space<hbm>> -> memref<1000000xf32, #tpu.memory_space<hbm>>
    tpu.enqueue_indirect_dma source(%dma_start3A_11 : memref<1000000xf32, #tpu.memory_space<hbm>>) target(%dma_start3A_6 : memref<128xf32, #tpu.memory_space<vmem>>) offsets(%dma_start3A_9 : memref<128xi32, #tpu.memory_space<vmem>>) semaphore(%arg9 : memref<!tpu.dma_semaphore, #tpu.memory_space<semaphore_mem>>)
    %dma_start3A_12 = arith.constant 1 : i32
    %dma_start3A_13 = arith.constant 128 : i32
    %dma_start3A_14 = tpu.memref_slice %arg7[%dma_start3A_13] : memref<512xf32, #tpu.memory_space<vmem>> -> memref<128xf32, #tpu.memory_space<vmem>>
    %dma_start3A_15 = arith.constant 0 : i32
    %dma_start3A_16 = tpu.memref_slice %arg6[%dma_start3A_12, %dma_start3A_15] : memref<4x128xi32, #tpu.memory_space<vmem>> -> memref<1x128xi32, #tpu.memory_space<vmem>>
    %dma_start3A_17 = tpu.memref_squeeze %dma_start3A_16 : memref<1x128xi32, #tpu.memory_space<vmem>> -> memref<128xi32, #tpu.memory_space<vmem>>
    %dma_start3A_18 = arith.constant 0 : i32
    %dma_start3A_19 = tpu.memref_slice %arg3[%dma_start3A_18] : memref<1000000xf32, #tpu.memory_space<hbm>> -> memref<1000000xf32, #tpu.memory_space<hbm>>
    tpu.enqueue_indirect_dma source(%dma_start3A_19 : memref<1000000xf32, #tpu.memory_space<hbm>>) target(%dma_start3A_14 : memref<128xf32, #tpu.memory_space<vmem>>) offsets(%dma_start3A_17 : memref<128xi32, #tpu.memory_space<vmem>>) semaphore(%arg9 : memref<!tpu.dma_semaphore, #tpu.memory_space<semaphore_mem>>)
    %dma_start3A_20 = arith.constant 2 : i32
    %dma_start3A_21 = arith.constant 256 : i32
    %dma_start3A_22 = tpu.memref_slice %arg7[%dma_start3A_21] : memref<512xf32, #tpu.memory_space<vmem>> -> memref<128xf32, #tpu.memory_space<vmem>>
    %dma_start3A_23 = arith.constant 0 : i32
    %dma_start3A_24 = tpu.memref_slice %arg6[%dma_start3A_20, %dma_start3A_23] : memref<4x128xi32, #tpu.memory_space<vmem>> -> memref<1x128xi32, #tpu.memory_space<vmem>>
    %dma_start3A_25 = tpu.memref_squeeze %dma_start3A_24 : memref<1x128xi32, #tpu.memory_space<vmem>> -> memref<128xi32, #tpu.memory_space<vmem>>
    %dma_start3A_26 = arith.constant 0 : i32
    %dma_start3A_27 = tpu.memref_slice %arg3[%dma_start3A_26] : memref<1000000xf32, #tpu.memory_space<hbm>> -> memref<1000000xf32, #tpu.memory_space<hbm>>
    tpu.enqueue_indirect_dma source(%dma_start3A_27 : memref<1000000xf32, #tpu.memory_space<hbm>>) target(%dma_start3A_22 : memref<128xf32, #tpu.memory_space<vmem>>) offsets(%dma_start3A_25 : memref<128xi32, #tpu.memory_space<vmem>>) semaphore(%arg9 : memref<!tpu.dma_semaphore, #tpu.memory_space<semaphore_mem>>)
    %dma_start3A_28 = arith.constant 3 : i32
    %dma_start3A_29 = arith.constant 384 : i32
    %dma_start3A_30 = tpu.memref_slice %arg7[%dma_start3A_29] : memref<512xf32, #tpu.memory_space<vmem>> -> memref<128xf32, #tpu.memory_space<vmem>>
    %dma_start3A_31 = arith.constant 0 : i32
    %dma_start3A_32 = tpu.memref_slice %arg6[%dma_start3A_28, %dma_start3A_31] : memref<4x128xi32, #tpu.memory_space<vmem>> -> memref<1x128xi32, #tpu.memory_space<vmem>>
    %dma_start3A_33 = tpu.memref_squeeze %dma_start3A_32 : memref<1x128xi32, #tpu.memory_space<vmem>> -> memref<128xi32, #tpu.memory_space<vmem>>
    %dma_start3A_34 = arith.constant 0 : i32
    %dma_start3A_35 = tpu.memref_slice %arg3[%dma_start3A_34] : memref<1000000xf32, #tpu.memory_space<hbm>> -> memref<1000000xf32, #tpu.memory_space<hbm>>
    tpu.enqueue_indirect_dma source(%dma_start3A_35 : memref<1000000xf32, #tpu.memory_space<hbm>>) target(%dma_start3A_30 : memref<128xf32, #tpu.memory_space<vmem>>) offsets(%dma_start3A_33 : memref<128xi32, #tpu.memory_space<vmem>>) semaphore(%arg9 : memref<!tpu.dma_semaphore, #tpu.memory_space<semaphore_mem>>)
    %dma_wait3A = arith.constant 0 : i32
    %dma_wait3A_36 = arith.constant 0 : i32
    %dma_wait3A_37 = tpu.memref_slice %arg7[%dma_wait3A_36] : memref<512xf32, #tpu.memory_space<vmem>> -> memref<128xf32, #tpu.memory_space<vmem>>
    %dma_wait3A_38 = arith.constant 0 : i32
    %dma_wait3A_39 = tpu.memref_slice %arg6[%dma_wait3A, %dma_wait3A_38] : memref<4x128xi32, #tpu.memory_space<vmem>> -> memref<1x128xi32, #tpu.memory_space<vmem>>
    %dma_wait3A_40 = tpu.memref_squeeze %dma_wait3A_39 : memref<1x128xi32, #tpu.memory_space<vmem>> -> memref<128xi32, #tpu.memory_space<vmem>>
    %dma_wait3A_41 = arith.constant 0 : i32
    %dma_wait3A_42 = tpu.memref_slice %arg3[%dma_wait3A_41] : memref<1000000xf32, #tpu.memory_space<hbm>> -> memref<1000000xf32, #tpu.memory_space<hbm>>
    tpu.wait_indirect_dma semaphore(%arg9 : memref<!tpu.dma_semaphore, #tpu.memory_space<semaphore_mem>>) src(%dma_wait3A_42 : memref<1000000xf32, #tpu.memory_space<hbm>>) dst(%dma_wait3A_37 : memref<128xf32, #tpu.memory_space<vmem>>)
    %dma_wait3A_43 = arith.constant 1 : i32
    %dma_wait3A_44 = arith.constant 128 : i32
    %dma_wait3A_45 = tpu.memref_slice %arg7[%dma_wait3A_44] : memref<512xf32, #tpu.memory_space<vmem>> -> memref<128xf32, #tpu.memory_space<vmem>>
    %dma_wait3A_46 = arith.constant 0 : i32
    %dma_wait3A_47 = tpu.memref_slice %arg6[%dma_wait3A_43, %dma_wait3A_46] : memref<4x128xi32, #tpu.memory_space<vmem>> -> memref<1x128xi32, #tpu.memory_space<vmem>>
    %dma_wait3A_48 = tpu.memref_squeeze %dma_wait3A_47 : memref<1x128xi32, #tpu.memory_space<vmem>> -> memref<128xi32, #tpu.memory_space<vmem>>
    %dma_wait3A_49 = arith.constant 0 : i32
    %dma_wait3A_50 = tpu.memref_slice %arg3[%dma_wait3A_49] : memref<1000000xf32, #tpu.memory_space<hbm>> -> memref<1000000xf32, #tpu.memory_space<hbm>>
    tpu.wait_indirect_dma semaphore(%arg9 : memref<!tpu.dma_semaphore, #tpu.memory_space<semaphore_mem>>) src(%dma_wait3A_50 : memref<1000000xf32, #tpu.memory_space<hbm>>) dst(%dma_wait3A_45 : memref<128xf32, #tpu.memory_space<vmem>>)
    %dma_wait3A_51 = arith.constant 2 : i32
    %dma_wait3A_52 = arith.constant 256 : i32
    %dma_wait3A_53 = tpu.memref_slice %arg7[%dma_wait3A_52] : memref<512xf32, #tpu.memory_space<vmem>> -> memref<128xf32, #tpu.memory_space<vmem>>
    %dma_wait3A_54 = arith.constant 0 : i32
    %dma_wait3A_55 = tpu.memref_slice %arg6[%dma_wait3A_51, %dma_wait3A_54] : memref<4x128xi32, #tpu.memory_space<vmem>> -> memref<1x128xi32, #tpu.memory_space<vmem>>
    %dma_wait3A_56 = tpu.memref_squeeze %dma_wait3A_55 : memref<1x128xi32, #tpu.memory_space<vmem>> -> memref<128xi32, #tpu.memory_space<vmem>>
    %dma_wait3A_57 = arith.constant 0 : i32
    %dma_wait3A_58 = tpu.memref_slice %arg3[%dma_wait3A_57] : memref<1000000xf32, #tpu.memory_space<hbm>> -> memref<1000000xf32, #tpu.memory_space<hbm>>
    tpu.wait_indirect_dma semaphore(%arg9 : memref<!tpu.dma_semaphore, #tpu.memory_space<semaphore_mem>>) src(%dma_wait3A_58 : memref<1000000xf32, #tpu.memory_space<hbm>>) dst(%dma_wait3A_53 : memref<128xf32, #tpu.memory_space<vmem>>)
    %dma_wait3A_59 = arith.constant 3 : i32
    %dma_wait3A_60 = arith.constant 384 : i32
    %dma_wait3A_61 = tpu.memref_slice %arg7[%dma_wait3A_60] : memref<512xf32, #tpu.memory_space<vmem>> -> memref<128xf32, #tpu.memory_space<vmem>>
    %dma_wait3A_62 = arith.constant 0 : i32
    %dma_wait3A_63 = tpu.memref_slice %arg6[%dma_wait3A_59, %dma_wait3A_62] : memref<4x128xi32, #tpu.memory_space<vmem>> -> memref<1x128xi32, #tpu.memory_space<vmem>>
    %dma_wait3A_64 = tpu.memref_squeeze %dma_wait3A_63 : memref<1x128xi32, #tpu.memory_space<vmem>> -> memref<128xi32, #tpu.memory_space<vmem>>
    %dma_wait3A_65 = arith.constant 0 : i32
    %dma_wait3A_66 = tpu.memref_slice %arg3[%dma_wait3A_65] : memref<1000000xf32, #tpu.memory_space<hbm>> -> memref<1000000xf32, #tpu.memory_space<hbm>>
    tpu.wait_indirect_dma semaphore(%arg9 : memref<!tpu.dma_semaphore, #tpu.memory_space<semaphore_mem>>) src(%dma_wait3A_66 : memref<1000000xf32, #tpu.memory_space<hbm>>) dst(%dma_wait3A_61 : memref<128xf32, #tpu.memory_space<vmem>>)
    %get3A = arith.constant 0 : index
    %get3A_67 = tpu.vector_load %arg7[%get3A] {strides = array<i32>} : memref<512xf32, #tpu.memory_space<vmem>>, vector<16xf32>,
    %get3A_68 = arith.constant 0 : index
    %get3A_69 = tpu.vector_load %arg8[%get3A_68] {strides = array<i32>} : memref<512xf32, #tpu.memory_space<vmem>>, vector<16xf32>,
    %add3A_70 = arith.addf %get3A_67, %get3A_69 : vector<16xf32>
    %swap3A = arith.constant 0 : index
    %swap3A_71 = tpu.vector_load %arg7[%swap3A] {strides = array<i32>} : memref<512xf32, #tpu.memory_space<vmem>>, vector<16xf32>,
    tpu.vector_store %arg7[%swap3A], %add3A_70 {strides = array<i32>} : memref<512xf32, #tpu.memory_space<vmem>>, vector<16xf32>,
    %get3A_72 = arith.constant 16 : index
    %get3A_73 = tpu.vector_load %arg7[%get3A_72] {strides = array<i32>} : memref<512xf32, #tpu.memory_space<vmem>>, vector<16xf32>,
    %get3A_74 = arith.constant 16 : index
    %get3A_75 = tpu.vector_load %arg8[%get3A_74] {strides = array<i32>} : memref<512xf32, #tpu.memory_space<vmem>>, vector<16xf32>,
    %add3A_76 = arith.addf %get3A_73, %get3A_75 : vector<16xf32>
    %swap3A_77 = arith.constant 16 : index
    %swap3A_78 = tpu.vector_load %arg7[%swap3A_77] {strides = array<i32>} : memref<512xf32, #tpu.memory_space<vmem>>, vector<16xf32>,
    tpu.vector_store %arg7[%swap3A_77], %add3A_76 {strides = array<i32>} : memref<512xf32, #tpu.memory_space<vmem>>, vector<16xf32>,
    %get3A_79 = arith.constant 32 : index
    %get3A_80 = tpu.vector_load %arg7[%get3A_79] {strides = array<i32>} : memref<512xf32, #tpu.memory_space<vmem>>, vector<16xf32>,
    %get3A_81 = arith.constant 32 : index
    %get3A_82 = tpu.vector_load %arg8[%get3A_81] {strides = array<i32>} : memref<512xf32, #tpu.memory_space<vmem>>, vector<16xf32>,
    %add3A_83 = arith.addf %get3A_80, %get3A_82 : vector<16xf32>
    %swap3A_84 = arith.constant 32 : index
    %swap3A_85 = tpu.vector_load %arg7[%swap3A_84] {strides = array<i32>} : memref<512xf32, #tpu.memory_space<vmem>>, vector<16xf32>,
    tpu.vector_store %arg7[%swap3A_84], %add3A_83 {strides = array<i32>} : memref<512xf32, #tpu.memory_space<vmem>>, vector<16xf32>,
    %get3A_86 = arith.constant 48 : index
    %get3A_87 = tpu.vector_load %arg7[%get3A_86] {strides = array<i32>} : memref<512xf32, #tpu.memory_space<vmem>>, vector<16xf32>,
    %get3A_88 = arith.constant 48 : index
    %get3A_89 = tpu.vector_load %arg8[%get3A_88] {strides = array<i32>} : memref<512xf32, #tpu.memory_space<vmem>>, vector<16xf32>,
    %add3A_90 = arith.addf %get3A_87, %get3A_89 : vector<16xf32>
    %swap3A_91 = arith.constant 48 : index
    %swap3A_92 = tpu.vector_load %arg7[%swap3A_91] {strides = array<i32>} : memref<512xf32, #tpu.memory_space<vmem>>, vector<16xf32>,
    tpu.vector_store %arg7[%swap3A_91], %add3A_90 {strides = array<i32>} : memref<512xf32, #tpu.memory_space<vmem>>, vector<16xf32>,
    %get3A_93 = arith.constant 64 : index
    %get3A_94 = tpu.vector_load %arg7[%get3A_93] {strides = array<i32>} : memref<512xf32, #tpu.memory_space<vmem>>, vector<16xf32>,
    %get3A_95 = arith.constant 64 : index
    %get3A_96 = tpu.vector_load %arg8[%get3A_95] {strides = array<i32>} : memref<512xf32, #tpu.memory_space<vmem>>, vector<16xf32>,
    %add3A_97 = arith.addf %get3A_94, %get3A_96 : vector<16xf32>
    %swap3A_98 = arith.constant 64 : index
    %swap3A_99 = tpu.vector_load %arg7[%swap3A_98] {strides = array<i32>} : memref<512xf32, #tpu.memory_space<vmem>>, vector<16xf32>,
    tpu.vector_store %arg7[%swap3A_98], %add3A_97 {strides = array<i32>} : memref<512xf32, #tpu.memory_space<vmem>>, vector<16xf32>,
    %get3A_100 = arith.constant 80 : index
    %get3A_101 = tpu.vector_load %arg7[%get3A_100] {strides = array<i32>} : memref<512xf32, #tpu.memory_space<vmem>>, vector<16xf32>,
    %get3A_102 = arith.constant 80 : index
    %get3A_103 = tpu.vector_load %arg8[%get3A_102] {strides = array<i32>} : memref<512xf32, #tpu.memory_space<vmem>>, vector<16xf32>,
    %add3A_104 = arith.addf %get3A_101, %get3A_103 : vector<16xf32>
    %swap3A_105 = arith.constant 80 : index
    %swap3A_106 = tpu.vector_load %arg7[%swap3A_105] {strides = array<i32>} : memref<512xf32, #tpu.memory_space<vmem>>, vector<16xf32>,
    tpu.vector_store %arg7[%swap3A_105], %add3A_104 {strides = array<i32>} : memref<512xf32, #tpu.memory_space<vmem>>, vector<16xf32>,
    %get3A_107 = arith.constant 96 : index
    %get3A_108 = tpu.vector_load %arg7[%get3A_107] {strides = array<i32>} : memref<512xf32, #tpu.memory_space<vmem>>, vector<16xf32>,
    %get3A_109 = arith.constant 96 : index
    %get3A_110 = tpu.vector_load %arg8[%get3A_109] {strides = array<i32>} : memref<512xf32, #tpu.memory_space<vmem>>, vector<16xf32>,
    %add3A_111 = arith.addf %get3A_108, %get3A_110 : vector<16xf32>
    %swap3A_112 = arith.constant 96 : index
    %swap3A_113 = tpu.vector_load %arg7[%swap3A_112] {strides = array<i32>} : memref<512xf32, #tpu.memory_space<vmem>>, vector<16xf32>,
    tpu.vector_store %arg7[%swap3A_112], %add3A_111 {strides = array<i32>} : memref<512xf32, #tpu.memory_space<vmem>>, vector<16xf32>,
    %get3A_114 = arith.constant 112 : index
    %get3A_115 = tpu.vector_load %arg7[%get3A_114] {strides = array<i32>} : memref<512xf32, #tpu.memory_space<vmem>>, vector<16xf32>,
    %get3A_116 = arith.constant 112 : index
    %get3A_117 = tpu.vector_load %arg8[%get3A_116] {strides = array<i32>} : memref<512xf32, #tpu.memory_space<vmem>>, vector<16xf32>,
    %add3A_118 = arith.addf %get3A_115, %get3A_117 : vector<16xf32>
    %swap3A_119 = arith.constant 112 : index
    %swap3A_120 = tpu.vector_load %arg7[%swap3A_119] {strides = array<i32>} : memref<512xf32, #tpu.memory_space<vmem>>, vector<16xf32>,
    tpu.vector_store %arg7[%swap3A_119], %add3A_118 {strides = array<i32>} : memref<512xf32, #tpu.memory_space<vmem>>, vector<16xf32>,
    %get3A_121 = arith.constant 128 : index
    %get3A_122 = tpu.vector_load %arg7[%get3A_121] {strides = array<i32>} : memref<512xf32, #tpu.memory_space<vmem>>, vector<16xf32>,
    %get3A_123 = arith.constant 128 : index
    %get3A_124 = tpu.vector_load %arg8[%get3A_123] {strides = array<i32>} : memref<512xf32, #tpu.memory_space<vmem>>, vector<16xf32>,
    %add3A_125 = arith.addf %get3A_122, %get3A_124 : vector<16xf32>
    %swap3A_126 = arith.constant 128 : index
    %swap3A_127 = tpu.vector_load %arg7[%swap3A_126] {strides = array<i32>} : memref<512xf32, #tpu.memory_space<vmem>>, vector<16xf32>,
    tpu.vector_store %arg7[%swap3A_126], %add3A_125 {strides = array<i32>} : memref<512xf32, #tpu.memory_space<vmem>>, vector<16xf32>,
    %get3A_128 = arith.constant 144 : index
    %get3A_129 = tpu.vector_load %arg7[%get3A_128] {strides = array<i32>} : memref<512xf32, #tpu.memory_space<vmem>>, vector<16xf32>,
    %get3A_130 = arith.constant 144 : index
    %get3A_131 = tpu.vector_load %arg8[%get3A_130] {strides = array<i32>} : memref<512xf32, #tpu.memory_space<vmem>>, vector<16xf32>,
    %add3A_132 = arith.addf %get3A_129, %get3A_131 : vector<16xf32>
    %swap3A_133 = arith.constant 144 : index
    %swap3A_134 = tpu.vector_load %arg7[%swap3A_133] {strides = array<i32>} : memref<512xf32, #tpu.memory_space<vmem>>, vector<16xf32>,
    tpu.vector_store %arg7[%swap3A_133], %add3A_132 {strides = array<i32>} : memref<512xf32, #tpu.memory_space<vmem>>, vector<16xf32>,
    %get3A_135 = arith.constant 160 : index
    %get3A_136 = tpu.vector_load %arg7[%get3A_135] {strides = array<i32>} : memref<512xf32, #tpu.memory_space<vmem>>, vector<16xf32>,
    %get3A_137 = arith.constant 160 : index
    %get3A_138 = tpu.vector_load %arg8[%get3A_137] {strides = array<i32>} : memref<512xf32, #tpu.memory_space<vmem>>, vector<16xf32>,
    %add3A_139 = arith.addf %get3A_136, %get3A_138 : vector<16xf32>
    %swap3A_140 = arith.constant 160 : index
    %swap3A_141 = tpu.vector_load %arg7[%swap3A_140] {strides = array<i32>} : memref<512xf32, #tpu.memory_space<vmem>>, vector<16xf32>,
    tpu.vector_store %arg7[%swap3A_140], %add3A_139 {strides = array<i32>} : memref<512xf32, #tpu.memory_space<vmem>>, vector<16xf32>,
    %get3A_142 = arith.constant 176 : index
    %get3A_143 = tpu.vector_load %arg7[%get3A_142] {strides = array<i32>} : memref<512xf32, #tpu.memory_space<vmem>>, vector<16xf32>,
    %get3A_144 = arith.constant 176 : index
    %get3A_145 = tpu.vector_load %arg8[%get3A_144] {strides = array<i32>} : memref<512xf32, #tpu.memory_space<vmem>>, vector<16xf32>,
    %add3A_146 = arith.addf %get3A_143, %get3A_145 : vector<16xf32>
    %swap3A_147 = arith.constant 176 : index
    %swap3A_148 = tpu.vector_load %arg7[%swap3A_147] {strides = array<i32>} : memref<512xf32, #tpu.memory_space<vmem>>, vector<16xf32>,
    tpu.vector_store %arg7[%swap3A_147], %add3A_146 {strides = array<i32>} : memref<512xf32, #tpu.memory_space<vmem>>, vector<16xf32>,
    %get3A_149 = arith.constant 192 : index
    %get3A_150 = tpu.vector_load %arg7[%get3A_149] {strides = array<i32>} : memref<512xf32, #tpu.memory_space<vmem>>, vector<16xf32>,
    %get3A_151 = arith.constant 192 : index
    %get3A_152 = tpu.vector_load %arg8[%get3A_151] {strides = array<i32>} : memref<512xf32, #tpu.memory_space<vmem>>, vector<16xf32>,
    %add3A_153 = arith.addf %get3A_150, %get3A_152 : vector<16xf32>
    %swap3A_154 = arith.constant 192 : index
    %swap3A_155 = tpu.vector_load %arg7[%swap3A_154] {strides = array<i32>} : memref<512xf32, #tpu.memory_space<vmem>>, vector<16xf32>,
    tpu.vector_store %arg7[%swap3A_154], %add3A_153 {strides = array<i32>} : memref<512xf32, #tpu.memory_space<vmem>>, vector<16xf32>,
    %get3A_156 = arith.constant 208 : index
    %get3A_157 = tpu.vector_load %arg7[%get3A_156] {strides = array<i32>} : memref<512xf32, #tpu.memory_space<vmem>>, vector<16xf32>,
    %get3A_158 = arith.constant 208 : index
    %get3A_159 = tpu.vector_load %arg8[%get3A_158] {strides = array<i32>} : memref<512xf32, #tpu.memory_space<vmem>>, vector<16xf32>,
    %add3A_160 = arith.addf %get3A_157, %get3A_159 : vector<16xf32>
    %swap3A_161 = arith.constant 208 : index
    %swap3A_162 = tpu.vector_load %arg7[%swap3A_161] {strides = array<i32>} : memref<512xf32, #tpu.memory_space<vmem>>, vector<16xf32>,
    tpu.vector_store %arg7[%swap3A_161], %add3A_160 {strides = array<i32>} : memref<512xf32, #tpu.memory_space<vmem>>, vector<16xf32>,
    %get3A_163 = arith.constant 224 : index
    %get3A_164 = tpu.vector_load %arg7[%get3A_163] {strides = array<i32>} : memref<512xf32, #tpu.memory_space<vmem>>, vector<16xf32>,
    %get3A_165 = arith.constant 224 : index
    %get3A_166 = tpu.vector_load %arg8[%get3A_165] {strides = array<i32>} : memref<512xf32, #tpu.memory_space<vmem>>, vector<16xf32>,
    %add3A_167 = arith.addf %get3A_164, %get3A_166 : vector<16xf32>
    %swap3A_168 = arith.constant 224 : index
    %swap3A_169 = tpu.vector_load %arg7[%swap3A_168] {strides = array<i32>} : memref<512xf32, #tpu.memory_space<vmem>>, vector<16xf32>,
    tpu.vector_store %arg7[%swap3A_168], %add3A_167 {strides = array<i32>} : memref<512xf32, #tpu.memory_space<vmem>>, vector<16xf32>,
    %get3A_170 = arith.constant 240 : index
    %get3A_171 = tpu.vector_load %arg7[%get3A_170] {strides = array<i32>} : memref<512xf32, #tpu.memory_space<vmem>>, vector<16xf32>,
    %get3A_172 = arith.constant 240 : index
    %get3A_173 = tpu.vector_load %arg8[%get3A_172] {strides = array<i32>} : memref<512xf32, #tpu.memory_space<vmem>>, vector<16xf32>,
    %add3A_174 = arith.addf %get3A_171, %get3A_173 : vector<16xf32>
    %swap3A_175 = arith.constant 240 : index
    %swap3A_176 = tpu.vector_load %arg7[%swap3A_175] {strides = array<i32>} : memref<512xf32, #tpu.memory_space<vmem>>, vector<16xf32>,
    tpu.vector_store %arg7[%swap3A_175], %add3A_174 {strides = array<i32>} : memref<512xf32, #tpu.memory_space<vmem>>, vector<16xf32>,
    %get3A_177 = arith.constant 256 : index
    %get3A_178 = tpu.vector_load %arg7[%get3A_177] {strides = array<i32>} : memref<512xf32, #tpu.memory_space<vmem>>, vector<16xf32>,
    %get3A_179 = arith.constant 256 : index
    %get3A_180 = tpu.vector_load %arg8[%get3A_179] {strides = array<i32>} : memref<512xf32, #tpu.memory_space<vmem>>, vector<16xf32>,
    %add3A_181 = arith.addf %get3A_178, %get3A_180 : vector<16xf32>
    %swap3A_182 = arith.constant 256 : index
    %swap3A_183 = tpu.vector_load %arg7[%swap3A_182] {strides = array<i32>} : memref<512xf32, #tpu.memory_space<vmem>>, vector<16xf32>,
    tpu.vector_store %arg7[%swap3A_182], %add3A_181 {strides = array<i32>} : memref<512xf32, #tpu.memory_space<vmem>>, vector<16xf32>,
    %get3A_184 = arith.constant 272 : index
    %get3A_185 = tpu.vector_load %arg7[%get3A_184] {strides = array<i32>} : memref<512xf32, #tpu.memory_space<vmem>>, vector<16xf32>,
    %get3A_186 = arith.constant 272 : index
    %get3A_187 = tpu.vector_load %arg8[%get3A_186] {strides = array<i32>} : memref<512xf32, #tpu.memory_space<vmem>>, vector<16xf32>,
    %add3A_188 = arith.addf %get3A_185, %get3A_187 : vector<16xf32>
    %swap3A_189 = arith.constant 272 : index
    %swap3A_190 = tpu.vector_load %arg7[%swap3A_189] {strides = array<i32>} : memref<512xf32, #tpu.memory_space<vmem>>, vector<16xf32>,
    tpu.vector_store %arg7[%swap3A_189], %add3A_188 {strides = array<i32>} : memref<512xf32, #tpu.memory_space<vmem>>, vector<16xf32>,
    %get3A_191 = arith.constant 288 : index
    %get3A_192 = tpu.vector_load %arg7[%get3A_191] {strides = array<i32>} : memref<512xf32, #tpu.memory_space<vmem>>, vector<16xf32>,
    %get3A_193 = arith.constant 288 : index
    %get3A_194 = tpu.vector_load %arg8[%get3A_193] {strides = array<i32>} : memref<512xf32, #tpu.memory_space<vmem>>, vector<16xf32>,
    %add3A_195 = arith.addf %get3A_192, %get3A_194 : vector<16xf32>
    %swap3A_196 = arith.constant 288 : index
    %swap3A_197 = tpu.vector_load %arg7[%swap3A_196] {strides = array<i32>} : memref<512xf32, #tpu.memory_space<vmem>>, vector<16xf32>,
    tpu.vector_store %arg7[%swap3A_196], %add3A_195 {strides = array<i32>} : memref<512xf32, #tpu.memory_space<vmem>>, vector<16xf32>,
    %get3A_198 = arith.constant 304 : index
    %get3A_199 = tpu.vector_load %arg7[%get3A_198] {strides = array<i32>} : memref<512xf32, #tpu.memory_space<vmem>>, vector<16xf32>,
    %get3A_200 = arith.constant 304 : index
    %get3A_201 = tpu.vector_load %arg8[%get3A_200] {strides = array<i32>} : memref<512xf32, #tpu.memory_space<vmem>>, vector<16xf32>,
    %add3A_202 = arith.addf %get3A_199, %get3A_201 : vector<16xf32>
    %swap3A_203 = arith.constant 304 : index
    %swap3A_204 = tpu.vector_load %arg7[%swap3A_203] {strides = array<i32>} : memref<512xf32, #tpu.memory_space<vmem>>, vector<16xf32>,
    tpu.vector_store %arg7[%swap3A_203], %add3A_202 {strides = array<i32>} : memref<512xf32, #tpu.memory_space<vmem>>, vector<16xf32>,
    %get3A_205 = arith.constant 320 : index
    %get3A_206 = tpu.vector_load %arg7[%get3A_205] {strides = array<i32>} : memref<512xf32, #tpu.memory_space<vmem>>, vector<16xf32>,
    %get3A_207 = arith.constant 320 : index
    %get3A_208 = tpu.vector_load %arg8[%get3A_207] {strides = array<i32>} : memref<512xf32, #tpu.memory_space<vmem>>, vector<16xf32>,
    %add3A_209 = arith.addf %get3A_206, %get3A_208 : vector<16xf32>
    %swap3A_210 = arith.constant 320 : index
    %swap3A_211 = tpu.vector_load %arg7[%swap3A_210] {strides = array<i32>} : memref<512xf32, #tpu.memory_space<vmem>>, vector<16xf32>,
    tpu.vector_store %arg7[%swap3A_210], %add3A_209 {strides = array<i32>} : memref<512xf32, #tpu.memory_space<vmem>>, vector<16xf32>,
    %get3A_212 = arith.constant 336 : index
    %get3A_213 = tpu.vector_load %arg7[%get3A_212] {strides = array<i32>} : memref<512xf32, #tpu.memory_space<vmem>>, vector<16xf32>,
    %get3A_214 = arith.constant 336 : index
    %get3A_215 = tpu.vector_load %arg8[%get3A_214] {strides = array<i32>} : memref<512xf32, #tpu.memory_space<vmem>>, vector<16xf32>,
    %add3A_216 = arith.addf %get3A_213, %get3A_215 : vector<16xf32>
    %swap3A_217 = arith.constant 336 : index
    %swap3A_218 = tpu.vector_load %arg7[%swap3A_217] {strides = array<i32>} : memref<512xf32, #tpu.memory_space<vmem>>, vector<16xf32>,
    tpu.vector_store %arg7[%swap3A_217], %add3A_216 {strides = array<i32>} : memref<512xf32, #tpu.memory_space<vmem>>, vector<16xf32>,
    %get3A_219 = arith.constant 352 : index
    %get3A_220 = tpu.vector_load %arg7[%get3A_219] {strides = array<i32>} : memref<512xf32, #tpu.memory_space<vmem>>, vector<16xf32>,
    %get3A_221 = arith.constant 352 : index
    %get3A_222 = tpu.vector_load %arg8[%get3A_221] {strides = array<i32>} : memref<512xf32, #tpu.memory_space<vmem>>, vector<16xf32>,
    %add3A_223 = arith.addf %get3A_220, %get3A_222 : vector<16xf32>
    %swap3A_224 = arith.constant 352 : index
    %swap3A_225 = tpu.vector_load %arg7[%swap3A_224] {strides = array<i32>} : memref<512xf32, #tpu.memory_space<vmem>>, vector<16xf32>,
    tpu.vector_store %arg7[%swap3A_224], %add3A_223 {strides = array<i32>} : memref<512xf32, #tpu.memory_space<vmem>>, vector<16xf32>,
    %get3A_226 = arith.constant 368 : index
    %get3A_227 = tpu.vector_load %arg7[%get3A_226] {strides = array<i32>} : memref<512xf32, #tpu.memory_space<vmem>>, vector<16xf32>,
    %get3A_228 = arith.constant 368 : index
    %get3A_229 = tpu.vector_load %arg8[%get3A_228] {strides = array<i32>} : memref<512xf32, #tpu.memory_space<vmem>>, vector<16xf32>,
    %add3A_230 = arith.addf %get3A_227, %get3A_229 : vector<16xf32>
    %swap3A_231 = arith.constant 368 : index
    %swap3A_232 = tpu.vector_load %arg7[%swap3A_231] {strides = array<i32>} : memref<512xf32, #tpu.memory_space<vmem>>, vector<16xf32>,
    tpu.vector_store %arg7[%swap3A_231], %add3A_230 {strides = array<i32>} : memref<512xf32, #tpu.memory_space<vmem>>, vector<16xf32>,
    %get3A_233 = arith.constant 384 : index
    %get3A_234 = tpu.vector_load %arg7[%get3A_233] {strides = array<i32>} : memref<512xf32, #tpu.memory_space<vmem>>, vector<16xf32>,
    %get3A_235 = arith.constant 384 : index
    %get3A_236 = tpu.vector_load %arg8[%get3A_235] {strides = array<i32>} : memref<512xf32, #tpu.memory_space<vmem>>, vector<16xf32>,
    %add3A_237 = arith.addf %get3A_234, %get3A_236 : vector<16xf32>
    %swap3A_238 = arith.constant 384 : index
    %swap3A_239 = tpu.vector_load %arg7[%swap3A_238] {strides = array<i32>} : memref<512xf32, #tpu.memory_space<vmem>>, vector<16xf32>,
    tpu.vector_store %arg7[%swap3A_238], %add3A_237 {strides = array<i32>} : memref<512xf32, #tpu.memory_space<vmem>>, vector<16xf32>,
    %get3A_240 = arith.constant 400 : index
    %get3A_241 = tpu.vector_load %arg7[%get3A_240] {strides = array<i32>} : memref<512xf32, #tpu.memory_space<vmem>>, vector<16xf32>,
    %get3A_242 = arith.constant 400 : index
    %get3A_243 = tpu.vector_load %arg8[%get3A_242] {strides = array<i32>} : memref<512xf32, #tpu.memory_space<vmem>>, vector<16xf32>,
    %add3A_244 = arith.addf %get3A_241, %get3A_243 : vector<16xf32>
    %swap3A_245 = arith.constant 400 : index
    %swap3A_246 = tpu.vector_load %arg7[%swap3A_245] {strides = array<i32>} : memref<512xf32, #tpu.memory_space<vmem>>, vector<16xf32>,
    tpu.vector_store %arg7[%swap3A_245], %add3A_244 {strides = array<i32>} : memref<512xf32, #tpu.memory_space<vmem>>, vector<16xf32>,
    %get3A_247 = arith.constant 416 : index
    %get3A_248 = tpu.vector_load %arg7[%get3A_247] {strides = array<i32>} : memref<512xf32, #tpu.memory_space<vmem>>, vector<16xf32>,
    %get3A_249 = arith.constant 416 : index
    %get3A_250 = tpu.vector_load %arg8[%get3A_249] {strides = array<i32>} : memref<512xf32, #tpu.memory_space<vmem>>, vector<16xf32>,
    %add3A_251 = arith.addf %get3A_248, %get3A_250 : vector<16xf32>
    %swap3A_252 = arith.constant 416 : index
    %swap3A_253 = tpu.vector_load %arg7[%swap3A_252] {strides = array<i32>} : memref<512xf32, #tpu.memory_space<vmem>>, vector<16xf32>,
    tpu.vector_store %arg7[%swap3A_252], %add3A_251 {strides = array<i32>} : memref<512xf32, #tpu.memory_space<vmem>>, vector<16xf32>,
    %get3A_254 = arith.constant 432 : index
    %get3A_255 = tpu.vector_load %arg7[%get3A_254] {strides = array<i32>} : memref<512xf32, #tpu.memory_space<vmem>>, vector<16xf32>,
    %get3A_256 = arith.constant 432 : index
    %get3A_257 = tpu.vector_load %arg8[%get3A_256] {strides = array<i32>} : memref<512xf32, #tpu.memory_space<vmem>>, vector<16xf32>,
    %add3A_258 = arith.addf %get3A_255, %get3A_257 : vector<16xf32>
    %swap3A_259 = arith.constant 432 : index
    %swap3A_260 = tpu.vector_load %arg7[%swap3A_259] {strides = array<i32>} : memref<512xf32, #tpu.memory_space<vmem>>, vector<16xf32>,
    tpu.vector_store %arg7[%swap3A_259], %add3A_258 {strides = array<i32>} : memref<512xf32, #tpu.memory_space<vmem>>, vector<16xf32>,
    %get3A_261 = arith.constant 448 : index
    %get3A_262 = tpu.vector_load %arg7[%get3A_261] {strides = array<i32>} : memref<512xf32, #tpu.memory_space<vmem>>, vector<16xf32>,
    %get3A_263 = arith.constant 448 : index
    %get3A_264 = tpu.vector_load %arg8[%get3A_263] {strides = array<i32>} : memref<512xf32, #tpu.memory_space<vmem>>, vector<16xf32>,
    %add3A_265 = arith.addf %get3A_262, %get3A_264 : vector<16xf32>
    %swap3A_266 = arith.constant 448 : index
    %swap3A_267 = tpu.vector_load %arg7[%swap3A_266] {strides = array<i32>} : memref<512xf32, #tpu.memory_space<vmem>>, vector<16xf32>,
    tpu.vector_store %arg7[%swap3A_266], %add3A_265 {strides = array<i32>} : memref<512xf32, #tpu.memory_space<vmem>>, vector<16xf32>,
    %get3A_268 = arith.constant 464 : index
    %get3A_269 = tpu.vector_load %arg7[%get3A_268] {strides = array<i32>} : memref<512xf32, #tpu.memory_space<vmem>>, vector<16xf32>,
    %get3A_270 = arith.constant 464 : index
    %get3A_271 = tpu.vector_load %arg8[%get3A_270] {strides = array<i32>} : memref<512xf32, #tpu.memory_space<vmem>>, vector<16xf32>,
    %add3A_272 = arith.addf %get3A_269, %get3A_271 : vector<16xf32>
    %swap3A_273 = arith.constant 464 : index
    %swap3A_274 = tpu.vector_load %arg7[%swap3A_273] {strides = array<i32>} : memref<512xf32, #tpu.memory_space<vmem>>, vector<16xf32>,
    tpu.vector_store %arg7[%swap3A_273], %add3A_272 {strides = array<i32>} : memref<512xf32, #tpu.memory_space<vmem>>, vector<16xf32>,
    %get3A_275 = arith.constant 480 : index
    %get3A_276 = tpu.vector_load %arg7[%get3A_275] {strides = array<i32>} : memref<512xf32, #tpu.memory_space<vmem>>, vector<16xf32>,
    %get3A_277 = arith.constant 480 : index
    %get3A_278 = tpu.vector_load %arg8[%get3A_277] {strides = array<i32>} : memref<512xf32, #tpu.memory_space<vmem>>, vector<16xf32>,
    %add3A_279 = arith.addf %get3A_276, %get3A_278 : vector<16xf32>
    %swap3A_280 = arith.constant 480 : index
    %swap3A_281 = tpu.vector_load %arg7[%swap3A_280] {strides = array<i32>} : memref<512xf32, #tpu.memory_space<vmem>>, vector<16xf32>,
    tpu.vector_store %arg7[%swap3A_280], %add3A_279 {strides = array<i32>} : memref<512xf32, #tpu.memory_space<vmem>>, vector<16xf32>,
    %get3A_282 = arith.constant 496 : index
    %get3A_283 = tpu.vector_load %arg7[%get3A_282] {strides = array<i32>} : memref<512xf32, #tpu.memory_space<vmem>>, vector<16xf32>,
    %get3A_284 = arith.constant 496 : index
    %get3A_285 = tpu.vector_load %arg8[%get3A_284] {strides = array<i32>} : memref<512xf32, #tpu.memory_space<vmem>>, vector<16xf32>,
    %add3A_286 = arith.addf %get3A_283, %get3A_285 : vector<16xf32>
    %swap3A_287 = arith.constant 496 : index
    %swap3A_288 = tpu.vector_load %arg7[%swap3A_287] {strides = array<i32>} : memref<512xf32, #tpu.memory_space<vmem>>, vector<16xf32>,
    tpu.vector_store %arg7[%swap3A_287], %add3A_286 {strides = array<i32>} : memref<512xf32, #tpu.memory_space<vmem>>, vector<16xf32>,
    %mul3A_289 = arith.constant 512 : i32
    %mul3A_290 = arith.muli %add3A, %mul3A_289 : i32
    "tpu.region"() ({
      %run_scoped3A = tpu.sem_alloc : memref<!tpu.dma_semaphore, #tpu.memory_space<semaphore_mem>>
      %dma_start3A_291 = tpu.memref_slice %arg5[%mul3A_290] : memref<16384xf32, #tpu.memory_space<hbm>> -> memref<512xf32, #tpu.memory_space<hbm>>
      %dma_start3A_292 = tpu.memref_slice %arg5[%mul3A_290] : memref<16384xf32, #tpu.memory_space<hbm>> -> memref<512xf32, #tpu.memory_space<hbm>>
      tpu.enqueue_dma source(%arg7 : memref<512xf32, #tpu.memory_space<vmem>>) target(%dma_start3A_292 : memref<512xf32, #tpu.memory_space<hbm>>) target_semaphore(%run_scoped3A : memref<!tpu.dma_semaphore, #tpu.memory_space<semaphore_mem>>)
      %dma_wait3A_293 = tpu.memref_slice %arg5[%mul3A_290] : memref<16384xf32, #tpu.memory_space<hbm>> -> memref<512xf32, #tpu.memory_space<hbm>>
      %dma_wait3A_294 = tpu.memref_slice %arg5[%mul3A_290] : memref<16384xf32, #tpu.memory_space<hbm>> -> memref<512xf32, #tpu.memory_space<hbm>>
      tpu.wait_dma2 semaphore(%run_scoped3A : memref<!tpu.dma_semaphore, #tpu.memory_space<semaphore_mem>>) src(%arg7 : memref<512xf32, #tpu.memory_space<vmem>>) dst(%dma_wait3A_294 : memref<512xf32, #tpu.memory_space<hbm>>)
      tpu.yield
    }) : () -> ()
    return
  }
}

#map = affine_map<(d0, d1) -> (0, 0)>
#map1 = affine_map<(d0, d1) -> (0)>
module attributes {stable_mosaic.version = 14 : i64} {
  func.func @_sc_gather_movie(%arg0: i32, %arg1: i32, %arg2: memref<128x128xi32, #tpu.memory_space<hbm>>, %arg3: memref<100000xf32, #tpu.memory_space<hbm>>, %arg4: memref<16384xf32, #tpu.memory_space<hbm>>, %arg5: memref<4x128xi32, #tpu.memory_space<vmem>>, %arg6: memref<512xf32, #tpu.memory_space<vmem>>, %arg7: memref<!tpu.dma_semaphore, #tpu.memory_space<semaphore_mem>>) attributes {dimension_semantics = [#tpu.dimension_semantics<core_parallel>, #tpu.dimension_semantics<subcore_parallel>], iteration_bounds = array<i64: 2, 16>, scalar_prefetch = 0 : i64, scratch_operands = 3 : i64, tpu.core_type = #tpu.core_type<sc_vector_subcore>, window_params = [{transform_indices = #map}, {transform_indices = #map1}, {transform_indices = #map1}]} {
    %mul3A = arith.constant 2 : i32
    %mul3A_0 = arith.muli %arg1, %mul3A : i32
    %add3A = arith.addi %mul3A_0, %arg0 : i32
    %mul3A_1 = arith.constant 4 : i32
    %mul3A_2 = arith.muli %add3A, %mul3A_1 : i32
    "tpu.region"() ({
      %run_scoped3A = tpu.sem_alloc : memref<!tpu.dma_semaphore, #tpu.memory_space<semaphore_mem>>
      %dma_start3A_67 = arith.constant 0 : i32
      %dma_start3A_68 = tpu.memref_slice %arg2[%mul3A_2, %dma_start3A_67] : memref<128x128xi32, #tpu.memory_space<hbm>> -> memref<4x128xi32, #tpu.memory_space<hbm>>
      %dma_start3A_69 = arith.constant 0 : i32
      %dma_start3A_70 = tpu.memref_slice %arg2[%mul3A_2, %dma_start3A_69] : memref<128x128xi32, #tpu.memory_space<hbm>> -> memref<4x128xi32, #tpu.memory_space<hbm>>
      tpu.enqueue_dma source(%dma_start3A_70 : memref<4x128xi32, #tpu.memory_space<hbm>>) target(%arg5 : memref<4x128xi32, #tpu.memory_space<vmem>>) target_semaphore(%run_scoped3A : memref<!tpu.dma_semaphore, #tpu.memory_space<semaphore_mem>>)
      %dma_wait3A_71 = arith.constant 0 : i32
      %dma_wait3A_72 = tpu.memref_slice %arg2[%mul3A_2, %dma_wait3A_71] : memref<128x128xi32, #tpu.memory_space<hbm>> -> memref<4x128xi32, #tpu.memory_space<hbm>>
      %dma_wait3A_73 = arith.constant 0 : i32
      %dma_wait3A_74 = tpu.memref_slice %arg2[%mul3A_2, %dma_wait3A_73] : memref<128x128xi32, #tpu.memory_space<hbm>> -> memref<4x128xi32, #tpu.memory_space<hbm>>
      tpu.wait_dma2 semaphore(%run_scoped3A : memref<!tpu.dma_semaphore, #tpu.memory_space<semaphore_mem>>) src(%dma_wait3A_74 : memref<4x128xi32, #tpu.memory_space<hbm>>) dst(%arg5 : memref<4x128xi32, #tpu.memory_space<vmem>>)
      tpu.yield
    }) : () -> ()
    %dma_start3A = arith.constant 0 : i32
    %dma_start3A_3 = arith.constant 0 : i32
    %dma_start3A_4 = tpu.memref_slice %arg6[%dma_start3A_3] : memref<512xf32, #tpu.memory_space<vmem>> -> memref<128xf32, #tpu.memory_space<vmem>>
    %dma_start3A_5 = arith.constant 0 : i32
    %dma_start3A_6 = tpu.memref_slice %arg5[%dma_start3A, %dma_start3A_5] : memref<4x128xi32, #tpu.memory_space<vmem>> -> memref<1x128xi32, #tpu.memory_space<vmem>>
    %dma_start3A_7 = tpu.memref_squeeze %dma_start3A_6 : memref<1x128xi32, #tpu.memory_space<vmem>> -> memref<128xi32, #tpu.memory_space<vmem>>
    %dma_start3A_8 = arith.constant 0 : i32
    %dma_start3A_9 = tpu.memref_slice %arg3[%dma_start3A_8] : memref<100000xf32, #tpu.memory_space<hbm>> -> memref<100000xf32, #tpu.memory_space<hbm>>
    tpu.enqueue_indirect_dma source(%dma_start3A_9 : memref<100000xf32, #tpu.memory_space<hbm>>) target(%dma_start3A_4 : memref<128xf32, #tpu.memory_space<vmem>>) offsets(%dma_start3A_7 : memref<128xi32, #tpu.memory_space<vmem>>) semaphore(%arg7 : memref<!tpu.dma_semaphore, #tpu.memory_space<semaphore_mem>>)
    %dma_start3A_10 = arith.constant 1 : i32
    %dma_start3A_11 = arith.constant 128 : i32
    %dma_start3A_12 = tpu.memref_slice %arg6[%dma_start3A_11] : memref<512xf32, #tpu.memory_space<vmem>> -> memref<128xf32, #tpu.memory_space<vmem>>
    %dma_start3A_13 = arith.constant 0 : i32
    %dma_start3A_14 = tpu.memref_slice %arg5[%dma_start3A_10, %dma_start3A_13] : memref<4x128xi32, #tpu.memory_space<vmem>> -> memref<1x128xi32, #tpu.memory_space<vmem>>
    %dma_start3A_15 = tpu.memref_squeeze %dma_start3A_14 : memref<1x128xi32, #tpu.memory_space<vmem>> -> memref<128xi32, #tpu.memory_space<vmem>>
    %dma_start3A_16 = arith.constant 0 : i32
    %dma_start3A_17 = tpu.memref_slice %arg3[%dma_start3A_16] : memref<100000xf32, #tpu.memory_space<hbm>> -> memref<100000xf32, #tpu.memory_space<hbm>>
    tpu.enqueue_indirect_dma source(%dma_start3A_17 : memref<100000xf32, #tpu.memory_space<hbm>>) target(%dma_start3A_12 : memref<128xf32, #tpu.memory_space<vmem>>) offsets(%dma_start3A_15 : memref<128xi32, #tpu.memory_space<vmem>>) semaphore(%arg7 : memref<!tpu.dma_semaphore, #tpu.memory_space<semaphore_mem>>)
    %dma_start3A_18 = arith.constant 2 : i32
    %dma_start3A_19 = arith.constant 256 : i32
    %dma_start3A_20 = tpu.memref_slice %arg6[%dma_start3A_19] : memref<512xf32, #tpu.memory_space<vmem>> -> memref<128xf32, #tpu.memory_space<vmem>>
    %dma_start3A_21 = arith.constant 0 : i32
    %dma_start3A_22 = tpu.memref_slice %arg5[%dma_start3A_18, %dma_start3A_21] : memref<4x128xi32, #tpu.memory_space<vmem>> -> memref<1x128xi32, #tpu.memory_space<vmem>>
    %dma_start3A_23 = tpu.memref_squeeze %dma_start3A_22 : memref<1x128xi32, #tpu.memory_space<vmem>> -> memref<128xi32, #tpu.memory_space<vmem>>
    %dma_start3A_24 = arith.constant 0 : i32
    %dma_start3A_25 = tpu.memref_slice %arg3[%dma_start3A_24] : memref<100000xf32, #tpu.memory_space<hbm>> -> memref<100000xf32, #tpu.memory_space<hbm>>
    tpu.enqueue_indirect_dma source(%dma_start3A_25 : memref<100000xf32, #tpu.memory_space<hbm>>) target(%dma_start3A_20 : memref<128xf32, #tpu.memory_space<vmem>>) offsets(%dma_start3A_23 : memref<128xi32, #tpu.memory_space<vmem>>) semaphore(%arg7 : memref<!tpu.dma_semaphore, #tpu.memory_space<semaphore_mem>>)
    %dma_start3A_26 = arith.constant 3 : i32
    %dma_start3A_27 = arith.constant 384 : i32
    %dma_start3A_28 = tpu.memref_slice %arg6[%dma_start3A_27] : memref<512xf32, #tpu.memory_space<vmem>> -> memref<128xf32, #tpu.memory_space<vmem>>
    %dma_start3A_29 = arith.constant 0 : i32
    %dma_start3A_30 = tpu.memref_slice %arg5[%dma_start3A_26, %dma_start3A_29] : memref<4x128xi32, #tpu.memory_space<vmem>> -> memref<1x128xi32, #tpu.memory_space<vmem>>
    %dma_start3A_31 = tpu.memref_squeeze %dma_start3A_30 : memref<1x128xi32, #tpu.memory_space<vmem>> -> memref<128xi32, #tpu.memory_space<vmem>>
    %dma_start3A_32 = arith.constant 0 : i32
    %dma_start3A_33 = tpu.memref_slice %arg3[%dma_start3A_32] : memref<100000xf32, #tpu.memory_space<hbm>> -> memref<100000xf32, #tpu.memory_space<hbm>>
    tpu.enqueue_indirect_dma source(%dma_start3A_33 : memref<100000xf32, #tpu.memory_space<hbm>>) target(%dma_start3A_28 : memref<128xf32, #tpu.memory_space<vmem>>) offsets(%dma_start3A_31 : memref<128xi32, #tpu.memory_space<vmem>>) semaphore(%arg7 : memref<!tpu.dma_semaphore, #tpu.memory_space<semaphore_mem>>)
    %dma_wait3A = arith.constant 0 : i32
    %dma_wait3A_34 = arith.constant 0 : i32
    %dma_wait3A_35 = tpu.memref_slice %arg6[%dma_wait3A_34] : memref<512xf32, #tpu.memory_space<vmem>> -> memref<128xf32, #tpu.memory_space<vmem>>
    %dma_wait3A_36 = arith.constant 0 : i32
    %dma_wait3A_37 = tpu.memref_slice %arg5[%dma_wait3A, %dma_wait3A_36] : memref<4x128xi32, #tpu.memory_space<vmem>> -> memref<1x128xi32, #tpu.memory_space<vmem>>
    %dma_wait3A_38 = tpu.memref_squeeze %dma_wait3A_37 : memref<1x128xi32, #tpu.memory_space<vmem>> -> memref<128xi32, #tpu.memory_space<vmem>>
    %dma_wait3A_39 = arith.constant 0 : i32
    %dma_wait3A_40 = tpu.memref_slice %arg3[%dma_wait3A_39] : memref<100000xf32, #tpu.memory_space<hbm>> -> memref<100000xf32, #tpu.memory_space<hbm>>
    tpu.wait_indirect_dma semaphore(%arg7 : memref<!tpu.dma_semaphore, #tpu.memory_space<semaphore_mem>>) src(%dma_wait3A_40 : memref<100000xf32, #tpu.memory_space<hbm>>) dst(%dma_wait3A_35 : memref<128xf32, #tpu.memory_space<vmem>>)
    %dma_wait3A_41 = arith.constant 1 : i32
    %dma_wait3A_42 = arith.constant 128 : i32
    %dma_wait3A_43 = tpu.memref_slice %arg6[%dma_wait3A_42] : memref<512xf32, #tpu.memory_space<vmem>> -> memref<128xf32, #tpu.memory_space<vmem>>
    %dma_wait3A_44 = arith.constant 0 : i32
    %dma_wait3A_45 = tpu.memref_slice %arg5[%dma_wait3A_41, %dma_wait3A_44] : memref<4x128xi32, #tpu.memory_space<vmem>> -> memref<1x128xi32, #tpu.memory_space<vmem>>
    %dma_wait3A_46 = tpu.memref_squeeze %dma_wait3A_45 : memref<1x128xi32, #tpu.memory_space<vmem>> -> memref<128xi32, #tpu.memory_space<vmem>>
    %dma_wait3A_47 = arith.constant 0 : i32
    %dma_wait3A_48 = tpu.memref_slice %arg3[%dma_wait3A_47] : memref<100000xf32, #tpu.memory_space<hbm>> -> memref<100000xf32, #tpu.memory_space<hbm>>
    tpu.wait_indirect_dma semaphore(%arg7 : memref<!tpu.dma_semaphore, #tpu.memory_space<semaphore_mem>>) src(%dma_wait3A_48 : memref<100000xf32, #tpu.memory_space<hbm>>) dst(%dma_wait3A_43 : memref<128xf32, #tpu.memory_space<vmem>>)
    %dma_wait3A_49 = arith.constant 2 : i32
    %dma_wait3A_50 = arith.constant 256 : i32
    %dma_wait3A_51 = tpu.memref_slice %arg6[%dma_wait3A_50] : memref<512xf32, #tpu.memory_space<vmem>> -> memref<128xf32, #tpu.memory_space<vmem>>
    %dma_wait3A_52 = arith.constant 0 : i32
    %dma_wait3A_53 = tpu.memref_slice %arg5[%dma_wait3A_49, %dma_wait3A_52] : memref<4x128xi32, #tpu.memory_space<vmem>> -> memref<1x128xi32, #tpu.memory_space<vmem>>
    %dma_wait3A_54 = tpu.memref_squeeze %dma_wait3A_53 : memref<1x128xi32, #tpu.memory_space<vmem>> -> memref<128xi32, #tpu.memory_space<vmem>>
    %dma_wait3A_55 = arith.constant 0 : i32
    %dma_wait3A_56 = tpu.memref_slice %arg3[%dma_wait3A_55] : memref<100000xf32, #tpu.memory_space<hbm>> -> memref<100000xf32, #tpu.memory_space<hbm>>
    tpu.wait_indirect_dma semaphore(%arg7 : memref<!tpu.dma_semaphore, #tpu.memory_space<semaphore_mem>>) src(%dma_wait3A_56 : memref<100000xf32, #tpu.memory_space<hbm>>) dst(%dma_wait3A_51 : memref<128xf32, #tpu.memory_space<vmem>>)
    %dma_wait3A_57 = arith.constant 3 : i32
    %dma_wait3A_58 = arith.constant 384 : i32
    %dma_wait3A_59 = tpu.memref_slice %arg6[%dma_wait3A_58] : memref<512xf32, #tpu.memory_space<vmem>> -> memref<128xf32, #tpu.memory_space<vmem>>
    %dma_wait3A_60 = arith.constant 0 : i32
    %dma_wait3A_61 = tpu.memref_slice %arg5[%dma_wait3A_57, %dma_wait3A_60] : memref<4x128xi32, #tpu.memory_space<vmem>> -> memref<1x128xi32, #tpu.memory_space<vmem>>
    %dma_wait3A_62 = tpu.memref_squeeze %dma_wait3A_61 : memref<1x128xi32, #tpu.memory_space<vmem>> -> memref<128xi32, #tpu.memory_space<vmem>>
    %dma_wait3A_63 = arith.constant 0 : i32
    %dma_wait3A_64 = tpu.memref_slice %arg3[%dma_wait3A_63] : memref<100000xf32, #tpu.memory_space<hbm>> -> memref<100000xf32, #tpu.memory_space<hbm>>
    tpu.wait_indirect_dma semaphore(%arg7 : memref<!tpu.dma_semaphore, #tpu.memory_space<semaphore_mem>>) src(%dma_wait3A_64 : memref<100000xf32, #tpu.memory_space<hbm>>) dst(%dma_wait3A_59 : memref<128xf32, #tpu.memory_space<vmem>>)
    %mul3A_65 = arith.constant 512 : i32
    %mul3A_66 = arith.muli %add3A, %mul3A_65 : i32
    "tpu.region"() ({
      %run_scoped3A = tpu.sem_alloc : memref<!tpu.dma_semaphore, #tpu.memory_space<semaphore_mem>>
      %dma_start3A_67 = tpu.memref_slice %arg4[%mul3A_66] : memref<16384xf32, #tpu.memory_space<hbm>> -> memref<512xf32, #tpu.memory_space<hbm>>
      %dma_start3A_68 = tpu.memref_slice %arg4[%mul3A_66] : memref<16384xf32, #tpu.memory_space<hbm>> -> memref<512xf32, #tpu.memory_space<hbm>>
      tpu.enqueue_dma source(%arg6 : memref<512xf32, #tpu.memory_space<vmem>>) target(%dma_start3A_68 : memref<512xf32, #tpu.memory_space<hbm>>) target_semaphore(%run_scoped3A : memref<!tpu.dma_semaphore, #tpu.memory_space<semaphore_mem>>)
      %dma_wait3A_69 = tpu.memref_slice %arg4[%mul3A_66] : memref<16384xf32, #tpu.memory_space<hbm>> -> memref<512xf32, #tpu.memory_space<hbm>>
      %dma_wait3A_70 = tpu.memref_slice %arg4[%mul3A_66] : memref<16384xf32, #tpu.memory_space<hbm>> -> memref<512xf32, #tpu.memory_space<hbm>>
      tpu.wait_dma2 semaphore(%run_scoped3A : memref<!tpu.dma_semaphore, #tpu.memory_space<semaphore_mem>>) src(%arg6 : memref<512xf32, #tpu.memory_space<vmem>>) dst(%dma_wait3A_70 : memref<512xf32, #tpu.memory_space<hbm>>)
      tpu.yield
    }) : () -> ()
    return
  }
}

module attributes {stable_mosaic.version = 14 : i64} {
  func.func @_mv_body(%arg0: i32, %arg1: memref<32x65536xf32, #tpu.memory_space<vmem>>, %arg2: memref<32x1xf32, #tpu.memory_space<vmem>>, %arg3: memref<1x1xf32, #tpu.memory_space<vmem>>, %arg4: memref<65536xf32, #tpu.memory_space<vmem>>) attributes {dimension_semantics = [#tpu.dimension_semantics<arbitrary>], iteration_bounds = array<i64: 2>, scalar_prefetch = 0 : i64, scratch_operands = 0 : i64, tpu.core_type = #tpu.core_type<tc>, window_params = [{transform_indices = @transform_0, window_bounds = array<i64: 32, 65536>}, {pipeline_mode = #tpu.pipeline_mode<synchronous>, transform_indices = @transform_1, window_bounds = array<i64: 32, 1>}, {pipeline_mode = #tpu.pipeline_mode<synchronous>, transform_indices = @transform_2, window_bounds = array<i64: 1, 1>}, {transform_indices = @transform_3, window_bounds = array<i64: 65536>}]} {
    %get3A = arith.constant 0 : index
    %get3A_0 = arith.constant 0 : index
    %get3A_1 = vector.load %arg1[%get3A, %get3A_0] : memref<32x65536xf32, #tpu.memory_space<vmem>>, vector<32x65536xf32>
    %get3A_2 = arith.constant 0 : index
    %get3A_3 = arith.constant 0 : index
    %get3A_4 = vector.load %arg2[%get3A_2, %get3A_3] : memref<32x1xf32, #tpu.memory_space<vmem>>, vector<32x1xf32>
    %mul3A = vector.broadcast %get3A_4 : vector<32x1xf32> to vector<32x65536xf32>
    %mul3A_5 = arith.mulf %get3A_1, %mul3A : vector<32x65536xf32>
    %reduce_sum3A = arith.constant dense<0.000000e+00> : vector<65536xf32>
    %reduce_sum3A_6 = vector.multi_reduction <add>, %mul3A_5, %reduce_sum3A [0] : vector<32x65536xf32> to vector<65536xf32>
    %get3A_7 = arith.constant 0 : index
    %get3A_8 = arith.constant 0 : index
    %get3A_9 = vector.load %arg3[%get3A_7, %get3A_8] : memref<1x1xf32, #tpu.memory_space<vmem>>, vector<1x1xf32>
    %get3A_10 = vector.extract %get3A_9[0, 0] : f32 from vector<1x1xf32>
    %add3A = vector.broadcast %get3A_10 : f32 to vector<65536xf32>
    %add3A_11 = arith.addf %reduce_sum3A_6, %add3A : vector<65536xf32>
    %swap3A = arith.constant 0 : index
    %swap3A_12 = vector.load %arg4[%swap3A] : memref<65536xf32, #tpu.memory_space<vmem>>, vector<65536xf32>
    tpu.vector_store %arg4[%swap3A], %add3A_11 {strides = array<i32>} : memref<65536xf32, #tpu.memory_space<vmem>>, vector<65536xf32>,
    return
  }
  func.func @transform_0(%arg0: i32) -> (i32, i32) {
    %c0_i32 = arith.constant 0 : i32
    %c0_i32_0 = arith.constant 0 : i32
    return %c0_i32, %arg0 : i32, i32
  }
  func.func @transform_1(%arg0: i32) -> (i32, i32) {
    %c0_i32 = arith.constant 0 : i32
    %c0_i32_0 = arith.constant 0 : i32
    %c0_i32_1 = arith.constant 0 : i32
    return %c0_i32, %c0_i32_0 : i32, i32
  }
  func.func @transform_2(%arg0: i32) -> (i32, i32) {
    %c0_i32 = arith.constant 0 : i32
    %c0_i32_0 = arith.constant 0 : i32
    %c0_i32_1 = arith.constant 0 : i32
    return %c0_i32, %c0_i32_0 : i32, i32
  }
  func.func @transform_3(%arg0: i32) -> i32 {
    %c0_i32 = arith.constant 0 : i32
    return %arg0 : i32
  }
}

module attributes {stable_mosaic.version = 14 : i64} {
  func.func @_mv_body(%arg0: i32, %arg1: memref<32x65536xf32, #tpu.memory_space<vmem>>, %arg2: memref<32x1xf32, #tpu.memory_space<vmem>>, %arg3: memref<1x1xf32, #tpu.memory_space<vmem>>, %arg4: memref<65536xf32, #tpu.memory_space<vmem>>) attributes {dimension_semantics = [#tpu.dimension_semantics<arbitrary>], iteration_bounds = array<i64: 16>, scalar_prefetch = 0 : i64, scratch_operands = 0 : i64, tpu.core_type = #tpu.core_type<tc>, window_params = [{transform_indices = @transform_0, window_bounds = array<i64: 32, 65536>}, {pipeline_mode = #tpu.pipeline_mode<synchronous>, transform_indices = @transform_1, window_bounds = array<i64: 32, 1>}, {pipeline_mode = #tpu.pipeline_mode<synchronous>, transform_indices = @transform_2, window_bounds = array<i64: 1, 1>}, {transform_indices = @transform_3, window_bounds = array<i64: 65536>}]} {
    %get3A = arith.constant 0 : index
    %get3A_0 = arith.constant 0 : index
    %get3A_1 = vector.load %arg1[%get3A, %get3A_0] : memref<32x65536xf32, #tpu.memory_space<vmem>>, vector<32x65536xf32>
    %get3A_2 = arith.constant 0 : index
    %get3A_3 = arith.constant 0 : index
    %get3A_4 = vector.load %arg2[%get3A_2, %get3A_3] : memref<32x1xf32, #tpu.memory_space<vmem>>, vector<32x1xf32>
    %mul3A = vector.broadcast %get3A_4 : vector<32x1xf32> to vector<32x65536xf32>
    %mul3A_5 = arith.mulf %get3A_1, %mul3A : vector<32x65536xf32>
    %reduce_sum3A = arith.constant dense<0.000000e+00> : vector<65536xf32>
    %reduce_sum3A_6 = vector.multi_reduction <add>, %mul3A_5, %reduce_sum3A [0] : vector<32x65536xf32> to vector<65536xf32>
    %get3A_7 = arith.constant 0 : index
    %get3A_8 = arith.constant 0 : index
    %get3A_9 = vector.load %arg3[%get3A_7, %get3A_8] : memref<1x1xf32, #tpu.memory_space<vmem>>, vector<1x1xf32>
    %get3A_10 = vector.extract %get3A_9[0, 0] : f32 from vector<1x1xf32>
    %add3A = vector.broadcast %get3A_10 : f32 to vector<65536xf32>
    %add3A_11 = arith.addf %reduce_sum3A_6, %add3A : vector<65536xf32>
    %swap3A = arith.constant 0 : index
    %swap3A_12 = vector.load %arg4[%swap3A] : memref<65536xf32, #tpu.memory_space<vmem>>, vector<65536xf32>
    tpu.vector_store %arg4[%swap3A], %add3A_11 {strides = array<i32>} : memref<65536xf32, #tpu.memory_space<vmem>>, vector<65536xf32>,
    return
  }
  func.func @transform_0(%arg0: i32) -> (i32, i32) {
    %c0_i32 = arith.constant 0 : i32
    %c0_i32_0 = arith.constant 0 : i32
    return %c0_i32, %arg0 : i32, i32
  }
  func.func @transform_1(%arg0: i32) -> (i32, i32) {
    %c0_i32 = arith.constant 0 : i32
    %c0_i32_0 = arith.constant 0 : i32
    %c0_i32_1 = arith.constant 0 : i32
    return %c0_i32, %c0_i32_0 : i32, i32
  }
  func.func @transform_2(%arg0: i32) -> (i32, i32) {
    %c0_i32 = arith.constant 0 : i32
    %c0_i32_0 = arith.constant 0 : i32
    %c0_i32_1 = arith.constant 0 : i32
    return %c0_i32, %c0_i32_0 : i32, i32
  }
  func.func @transform_3(%arg0: i32) -> i32 {
    %c0_i32 = arith.constant 0 : i32
    return %arg0 : i32
  }
}

</mosaic_0001>

<sc_bundles>
// kernel: kernel.6.cloned.1.call-start
scs
__scs_entry_jumppad:
0x0: {  	(pc) =	sbr.rel $0x88, $3  }
0x1: {  	(tag) =	ssettag $0x0;
	lr =	simm.s32 $0x1  }
0x2: {  	[smem:$0x3F9B] =	sst lr;
	_ =	strace $0xD0000000  }
0x3: {  	_ = 	snop  }
0x4: {  	_ = 	snop  }
0x5: {  	_ = 	snop  }
0x6: {  	_ = 	snop  }
0x7: {  	_ = 	snop  }
__scs_overlays_trampoline_lowered:
0x8: {  	[smem:$0x3FAA] =	sst s0  }
0x9: {  	[smem:$0x3FAB] =	sst s1  }
0xa: {  	[smem:$0x3FAC] =	sst s2  }
0xb: {  	[smem:$0x3FAD] =	sst s3  }
0xc: {  	[smem:$0x3FAE] =	sst s4  }
0xd: {  	[smem:$0x3FAF] =	sst s5  }
0xe: {  	[smem:$0x3FB0] =	sst s6  }
0xf: {  	[smem:$0x3FB1] =	sst s7  }
0x10: {  	[smem:$0x3FB2] =	sst s8  }
0x11: {  	[smem:$0x3FB3] =	sst s9;
	s0 =	simm.s32 @!p0 $0x0  }
0x12: {  	s1 =	sld [smem:$0x3F99];
	s0 =	simm.s32 @p0 $0x1  }
0x13: {  	[smem:$0x3FB4] =	sst s0;
	s0 =	simm.s32 @!p1 $0x0  }
0x14: {  	s2 =	sld [smem:$0x3F98];
	s0 =	simm.s32 @p1 $0x1  }
0x15: {  	[smem:$0x3FB5] =	sst s0;
	s0 =	simm.s32 @!p2 $0x0  }
0x16: {  	s3 =	sld [smem:$0x3FDB];
	s0 =	simm.s32 @p2 $0x1  }
0x17: {  	s4 =	simm.s32 $0x1BF5;
	[smem:$0x3FB7] =	sst s0  }
0x18: {  	s0 =	sld [smem:$0x3F9A];
	_ =	swait.ge [sflag:s4], $0x0  }
0x19: {  	s7 =	sld [smem:$0x3F9B]  }
0x1a: {  	s8 =	sadd.s32 $0xFFFFE003, lr  }
0x1b: {  	s9 =	sadd.s32 $0xFFFFFEF7, lr;
	s5 =	simm.s32 $0xFFFFFFFF;
	p2 =	slt.u32 s8, $0xFFFFF086  }
0x1c: {  	p1 =	slt.u32 s9, $0xF7A;
	s5 =	simm.s32 @!p2 $0x0  }
0x1d: {  	s5 =	simm.s32 @p1 $0x1;
	p0 =	seq.s32 s7, s2  }
0x1e: {  	s7 =	smul.u32 @!p0 $0xF7A, s2;
	p2 =	seq.s32 @!p0 s5, $0x0  }
0x1f: {  	s9 =	smul.u32 $0xF7A, s1;
	s8 =	simm.s32 @!p0 $0x1BF5;
	p2 =	por !p2, p0  }
0x20: {  	[sflag:s8] =	ssyncset.s32 @!p0 $0xFFFFF086;
	s6 =	sadd.s32 @!p0 s3, s7;
	s7 =	simm.s32 @!p0 $0x108  }
0x21: {  	s3 =	sadd.s32 s3, s9;
	s6 =	sadd.s32 @!p0 $0x88, s6;
	s7 =	simm.s32 @p2 $0x1082  }
0x22: {  	[simem:s7], [sflag:s8] =	dma.local @!p0 [hbm:s6], $0xF7A  }
0x23: {  	s9 =	sor.u32 $0xD0000000, s2;
	s6 =	simm.s32 $0x108;
	_ =	swait.ge @!p0 [sflag:s8], $0x0  }
0x24: {  	s3 =	sadd.s32 $0x88, s3;
	s6 =	simm.s32 @!p1 $0x1082;
	[sflag:s4] =	ssyncset.s32 $0xFFFFF086  }
0x25: {  	[simem:s6], [sflag:s4] =	dma.local [hbm:s3], $0xF7A  }
0x26: {  	[smem:$0x3F9B] =	sst s1;
	(tag) =	ssettag s2;
	_ =	strace s9  }
0x27: {  	s1 =	sld [smem:$0x3FAB]  }
0x28: {  	s2 =	sld [smem:$0x3FAC]  }
0x29: {  	s4 =	sld [smem:$0x3FAE]  }
0x2a: {  	p0 =	seq.s32 s5, $0x0;
	s5 =	sld [smem:$0x3FAF]  }
0x2b: {  	s6 =	sld [smem:$0x3FB0]  }
0x2c: {  	s7 =	sld [smem:$0x3FB1]  }
0x2d: {  	s3 =	simm.s32 $0x108;
	s8 =	sld [smem:$0x3FB2]  }
0x2e: {  	s3 =	simm.s32 @!p0 $0x1082;
	s9 =	sld [smem:$0x3FB3]  }
0x2f: {  	lr =	sadd.s32 s0, s3;
	s0 =	sld [smem:$0x3FAA]  }
0x30: {  	s3 =	sld [smem:$0x3FAD]  }
0x31: {  	[smem:$0x3FB6] =	sst s10  }
0x32: {  	s10 =	sld [smem:$0x3FB4];
	_ =	sdelay $0x3  }
0x33: {  	p0 =	seq.s32 s10, $0x1;
	s10 =	sld [smem:$0x3FB6];
	_ =	sdelay $0x3  }
0x34: {  	[smem:$0x3FB6] =	sst s10  }
0x35: {  	s10 =	sld [smem:$0x3FB5];
	_ =	sdelay $0x3  }
0x36: {  	p1 =	seq.s32 s10, $0x1;
	s10 =	sld [smem:$0x3FB6];
	_ =	sdelay $0x3  }
0x37: {  	[smem:$0x3FB6] =	sst s10  }
0x38: {  	s10 =	sld [smem:$0x3FB7]  }
0x39: {  	_ = 	snop;
	(pc) =	sbr.ind lr, $3  }
0x3a: {  	_ = 	snop  }
0x3b: {  	_ = 	snop  }
0x3c: {  	p2 =	seq.s32 s10, $0x1;
	s10 =	sld [smem:$0x3FB6]  }
0x3d: {  	_ =	shalt  }
0x3e: {  	_ =	shalt  }
0x3f: {  	_ =	shalt  }
0x40: {  	_ =	shalt  }
0x41: {  	_ =	shalt  }
0x42: {  	_ =	shalt  }
0x43: {  	_ =	shalt  }
0x44: {  	_ =	shalt  }
0x45: {  	_ =	shalt  }
0x46: {  	_ =	shalt  }
0x47: {  	_ =	shalt  }
0x48: {  	_ =	shalt  }
0x49: {  	_ =	shalt  }
0x4a: {  	_ =	shalt  }
0x4b: {  	_ =	shalt  }
0x4c: {  	_ =	shalt  }
0x4d: {  	_ =	shalt  }
0x4e: {  	_ =	shalt  }
0x4f: {  	_ =	shalt  }
0x50: {  	_ =	shalt  }
0x51: {  	_ =	shalt  }
0x52: {  	_ =	shalt  }
0x53: {  	_ =	shalt  }
0x54: {  	_ =	shalt  }
0x55: {  	_ =	shalt  }
0x56: {  	_ =	shalt  }
0x57: {  	_ =	shalt  }
0x58: {  	_ =	shalt  }
0x59: {  	_ =	shalt  }
0x5a: {  	_ =	shalt  }
0x5b: {  	_ =	shalt  }
0x5c: {  	_ =	shalt  }
0x5d: {  	_ =	shalt  }
0x5e: {  	_ =	shalt  }
0x5f: {  	_ =	shalt  }
0x60: {  	_ =	shalt  }
0x61: {  	_ =	shalt  }
0x62: {  	_ =	shalt  }
0x63: {  	_ =	shalt  }
0x64: {  	_ =	shalt  }
0x65: {  	_ =	shalt  }
0x66: {  	_ =	shalt  }
0x67: {  	_ =	shalt  }
0x68: {  	_ =	shalt  }
0x69: {  	_ =	shalt  }
0x6a: {  	_ =	shalt  }
0x6b: {  	_ =	shalt  }
0x6c: {  	_ =	shalt  }
0x6d: {  	_ =	shalt  }
0x6e: {  	_ =	shalt  }
0x6f: {  	_ =	shalt  }
0x70: {  	_ =	shalt  }
0x71: {  	_ =	shalt  }
0x72: {  	_ =	shalt  }
0x73: {  	_ =	shalt  }
0x74: {  	_ =	shalt  }
0x75: {  	_ =	shalt  }
0x76: {  	_ =	shalt  }
0x77: {  	_ =	shalt  }
0x78: {  	_ =	shalt  }
0x79: {  	_ =	shalt  }
0x7a: {  	_ =	shalt  }
0x7b: {  	_ =	shalt  }
0x7c: {  	_ =	shalt  }
0x7d: {  	_ =	shalt  }
0x7e: {  	_ =	shalt  }
0x7f: {  	_ =	shalt  }
0x80: {  	_ =	shalt  }
0x81: {  	_ =	shalt  }
0x82: {  	_ =	shalt  }
0x83: {  	_ =	shalt  }
0x84: {  	_ =	shalt  }
0x85: {  	_ =	shalt  }
0x86: {  	_ =	shalt  }
0x87: {  	_ =	shalt  }
.Lfunc_end0:
.L_simem_size_0:
called_computation_lowered:
.L_overlay_start_0:
0x88: {  	s2 =	sld [smem:$0x3FD9]  }
0x89: {  	s3 =	sld [smem:$0x3FFE];
	_ =	sdelay $0x1  }
0x8a: {  	s1 =	srdreg.scid  }
0x8b: {  	s0 =	sand.u32 $0x1, s1  }
0x8c: {  	s17 =	sshll.u32 s0, $0xA;
	s2 =	sadd.s32 s3, s2  }
0x8d: {  	s2 =	sadd.s32 s2, s17  }
0x8e: {  	[smem:$0x3FC2] =	sst s2  }
0x8f: {  	_ = 	snop  }
0x90: {  	s2 =	sld [smem:$0x3FC8];
	(tm) =	ssettm $0x1  }
0x91: {  	s18 =	sld [smem:$0x3FFB];
	_ =	sdelay $0x3  }
0x92: {  	_ =	strace s18  }
0x93: {  	s3 =	sld [smem:$0x3FFC];
	_ =	sdelay $0x3  }
0x94: {  	_ =	strace s3  }
0x95: {  	s3 =	sld [smem:$0x3FFD];
	_ =	sdelay $0x3  }
0x96: {  	_ =	strace s3  }
0x97: {  	_ =	strace $0x8FFFFFFF  }
0x98: {  	s19 =	sld [smem:$0x3FDB];
	_ =	sdelay $0x1  }
0x99: {  	s4 =	simm.s32 $_scs_section_size  }
0x9a: {  	s5 =	simm.s32 $_size__tile_overlayer_lowered;
	s6 =	simm.s32 $_tile_overlayer_lowered  }
0x9b: {  	s22 =	simm.s32 $0x1BFF;
	s21 =	sshll.u32 s6, $0x1;
	s3 =	sadd.s32 s4, s19  }
0x9c: {  	s7 =	simm.s32 $0x0;
	s20 =	sshll.u32 s5, $0x1;
	s5 =	sadd.s32 s21, s3  }
0x9d: {  	[timem:s7], [sflag:s22] =	dma.local [hbm:s5], s20  }
0x9e: {  	_ =	swait.ge [sflag:s22], s20  }
0x9f: {  	s4 =	ssub.s32 $0x0, s20;
	[sflag:s22] =	ssyncset.done $0x0  }
0xa0: {  	[sflag:s22] =	ssyncadd.s32 s4;
	_ =	sdelay $0x1  }
0xa1: {  	s23 =	simm.s32 $0x1B8B  }
0xa2: {  	_ =	swait.ge [sflag:s23], $0x1  }
0xa3: {  	[sflag:s23] =	ssyncset.done $0x0  }
0xa4: {  	s25 =	simm.s32 $0x1B8E;
	s24 =	sld [smem:$0x3FFE];
	[sflag:s23] =	ssyncadd.s32 $0xFFFFFFFF  }
0xa5: {  	s26 =	simm.s32 $execute0_lowered;
	[smem:$0x3FD2] =	sst s25  }
0xa6: {  	s5 =	sshll.u32 s26, $0x1;
	_ =	strace $0x80000046;
	[dreg:$0x1] =	wrdreg $0xFFFFFFFF  }
0xa7: {  	s28 =	simm.s32 $_size_execute0_lowered;
	s3 =	sadd.s32 s3, s5;
	[dreg:$0x0] =	wrdreg $0x0  }
0xa8: {  	s5 =	sshll.u32 s28, $0x1;
	[dreg:$0x2] =	wrdreg s3  }
0xa9: {  	[dreg:$0x3] =	wrdreg s5  }
0xaa: {  	[dreg:$0x4] =	wrdreg $0xC0  }
0xab: {  	_ =	task [dreg:s7], $0x5FFFF  }
0xac: {  	[dreg:$0x1] =	wrdreg $0xFFFFFFFF  }
0xad: {  	[dreg:$0x0] =	wrdreg $0x60  }
0xae: {  	[dreg:$0x2] =	wrdreg s2  }
0xaf: {  	[dreg:$0x3] =	wrdreg s24  }
0xb0: {  	[dreg:$0x4] =	wrdreg $0x9  }
0xb1: {  	_ =	task.clear_ibuf [dreg:s7], $0x5FFFF;
	_ =	strace $0x90000046  }
0xb2: {  	s29 =	simm.s32 $0x9;
	_ =	strace $0x80000048  }
0xb3: {  	_ =	swait.ge [sflag:s29], $0x1  }
0xb4: {  	[sflag:s29] =	ssyncadd.s32 $0xFFFFFFFF  }
0xb5: {  	_ =	strace $0x90000048  }
0xb6: {  	_ =	sfence  }
0xb7: {  	s30 =	sld [smem:$0x0];
	_ =	sdelay $0x2  }
0xb8: {  	s31 =	sshll.u32 s1, $0xD;
	s1 =	sshrl.u32 s1, $0x2  }
0xb9: {  	s3 =	sand.u32 $0x4000, s31;
	s1 =	sadd.s32 s1, s30  }
0xba: {  	s0 =	sor.u32 s3, s0;
	s1 =	sshll.u32 s1, $0x11  }
0xbb: {  	s0 =	sor.u32 s1, s0  }
0xbc: {  	s0 =	sadd.s32 $0x8F2B, s0  }
0xbd: {  	[sflag:s0] =	ssyncadd.remote.s32 $0x1  }
0xbe: {  	_ =	sfence.sel $0xFFFF  }
0xbf: {  	[dreg:$0x0] =	wrdreg $0xFFFFFFFF;
	(pc) =	sbr.abs _section_cstart, $3  }
0xc0: {  	[dreg:$0x1] =	wrdreg $0xFFFFFFFF  }
0xc1: {  	_ =	task.clear_ibuf [dreg:s7], $0x2FFFF;
	_ =	strace $0x9FFFFFFF  }
0xc2: {  	(tm) =	ssettm $0x7FFFFFFF  }
0xc3: {  	_ =	shalt  }
tec
execute0_lowered:
.L_overlay_start_1:
0x0: {  	(tag) =	ssettag $0x1  }
0x1: {  	s3 =	rddreg [dreg:$0x0]  }
0x2: {  	s14 =	rddreg [dreg:$0x1];
	s2 =	srdreg.scid  }
0x3: {  	s0 =	rddreg [dreg:$0x2];
	s1 =	stileid.u32;
	s15 =	sand.u32 $0x1, s2  }
0x4: {  	s2 =	simm.s32 $0x0;
	s4 =	sshll.u32 s1, $0x7;
	s5 =	sshll.u32 s15, $0x6  }
0x5: {  	[smem:$0x7FF] =	sst s2;
	s16 =	sor.u32 s5, s4  }
0x6: {  	_ =	strace $0x80000047;
	s4 =	sadd.s32 s3, s16;
	s3 =	simm.s32 $0x2  }
0x7: {  	[tilespmem:s2], [sflag:$0x2] =	stream.linear.gather [hbm4b:s4+s2], $0x200, $0x38;
	[tilespmem:$0x400] =	vst v63  }
0x8: {  	_ =	swait.ge [sflag:s3], $0x200  }
0x9: {  	s6 =	simm.s32 $0x80;
	[sflag:s3] =	ssyncset.done $0x0  }
0xa: {  	s7 =	simm.s32 $0x200;
	s5 =	sadd.s32 $0x1000, s14;
	[sflag:s3] =	ssyncadd.s32 $0xFFFFFE00  }
0xb: {  	[tilespmem:s7], [sflag:$0x1] =	stream.indirect.gather [hbm4b:s5+s6], $0x1, s2, s6, $0xb8;
	[tilespmem:$0x400] =	vst v63  }
0xc: {  	s8 =	simm.s32 $0x280  }
0xd: {  	[tilespmem:s8], [sflag:$0x1] =	stream.indirect.gather [hbm4b:s5+s6], $0x1, s6, s6, $0xb8;
	[tilespmem:$0x400] =	vst v63  }
0xe: {  	s9 =	simm.s32 $0x100;
	s10 =	simm.s32 $0x300  }
0xf: {  	[tilespmem:s10], [sflag:$0x1] =	stream.indirect.gather [hbm4b:s5+s6], $0x1, s9, s6, $0xb8;
	[tilespmem:$0x400] =	vst v63  }
0x10: {  	s11 =	simm.s32 $0x180;
	s12 =	simm.s32 $0x380;
	s13 =	simm.s32 $0x1  }
0x11: {  	[tilespmem:s12], [sflag:$0x1] =	stream.indirect.gather [hbm4b:s5+s6], $0x1, s11, s6, $0xb8;
	[tilespmem:$0x400] =	vst v63  }
0x12: {  	_ =	swait.ge [sflag:s13], $0x80  }
0x13: {  	[sflag:s13] =	ssyncset.done $0x0  }
0x14: {  	[sflag:s13] =	ssyncadd.s32 $0xFFFFFF80  }
0x15: {  	_ =	swait.ge [sflag:s13], $0x80  }
0x16: {  	[sflag:s13] =	ssyncset.done $0x0  }
0x17: {  	s15 =	ssub.s32 $0x2, s15;
	[sflag:s13] =	ssyncadd.s32 $0xFFFFFF80  }
0x18: {  	s17 =	sshrl.u32 s15, $0x1;
	_ =	swait.ge [sflag:s13], $0x80  }
0x19: {  	s15 =	ssub.s32 s15, s17;
	[sflag:s13] =	ssyncset.done $0x0  }
0x1a: {  	s15 =	smax.u32 s15, $0x1;
	[sflag:s13] =	ssyncadd.s32 $0xFFFFFF80  }
0x1b: {  	p0 =	sne.s32 s15, $0x1;
	_ =	swait.ge [sflag:s13], $0x80  }
.Ltmp0:
0x1c: {  	s14 =	sadd.s32 s16, s14;
	[sflag:s13] =	ssyncset.done $0x0;
	(pc) =	sbr.rel @!p0 .LBB2_2-.Ltmp0, $4  }
0x1d: {  	s14 =	sadd.s32 $0x4200, s14;
	[sflag:s13] =	ssyncadd.s32 $0xFFFFFF80  }
0x1e: {  	[hbm4b:s14+s2] =	stream.linear.scatter [tilespmem:s7], [sflag:$0x2], $0x200, $0x38;
	[tilespmem:$0x400] =	vst v63  }
0x1f: {  	_ =	swait.ge [sflag:s3], $0x200  }
0x20: {  	s15 =	sadd.s32 $0xFFFFFFFF, s15;
	[sflag:s3] =	ssyncset.done $0x0  }
.LBB2_1:
0x21: {  	p0 =	sne.s32 s15, $0x1;
	s15 =	sadd.s32 $0xFFFFFFFF, s15;
	[sflag:s3] =	ssyncadd.s32 $0xFFFFFE00  }
0x22: {  	[tilespmem:s2], [sflag:$0x2] =	stream.linear.gather [hbm4b:s4+s2], $0x200, $0x38;
	[tilespmem:$0x400] =	vst v63  }
0x23: {  	_ =	swait.ge [sflag:s3], $0x200  }
0x24: {  	[sflag:s3] =	ssyncset.done $0x0  }
0x25: {  	[sflag:s3] =	ssyncadd.s32 $0xFFFFFE00  }
0x26: {  	[tilespmem:s7], [sflag:$0x1] =	stream.indirect.gather [hbm4b:s5+s6], $0x1, s2, s6, $0xb8;
	[tilespmem:$0x400] =	vst v63  }
0x27: {  	_ = 	snop  }
0x28: {  	[tilespmem:s8], [sflag:$0x1] =	stream.indirect.gather [hbm4b:s5+s6], $0x1, s6, s6, $0xb8;
	[tilespmem:$0x400] =	vst v63  }
0x29: {  	_ = 	snop  }
0x2a: {  	[tilespmem:s10], [sflag:$0x1] =	stream.indirect.gather [hbm4b:s5+s6], $0x1, s9, s6, $0xb8;
	[tilespmem:$0x400] =	vst v63  }
0x2b: {  	_ = 	snop  }
0x2c: {  	[tilespmem:s12], [sflag:$0x1] =	stream.indirect.gather [hbm4b:s5+s6], $0x1, s11, s6, $0xb8;
	[tilespmem:$0x400] =	vst v63  }
0x2d: {  	_ =	swait.ge [sflag:s13], $0x80  }
0x2e: {  	[sflag:s13] =	ssyncset.done $0x0  }
0x2f: {  	[sflag:s13] =	ssyncadd.s32 $0xFFFFFF80  }
0x30: {  	_ =	swait.ge [sflag:s13], $0x80  }
0x31: {  	[sflag:s13] =	ssyncset.done $0x0  }
0x32: {  	[sflag:s13] =	ssyncadd.s32 $0xFFFFFF80  }
0x33: {  	_ =	swait.ge [sflag:s13], $0x80  }
0x34: {  	[sflag:s13] =	ssyncset.done $0x0  }
0x35: {  	[sflag:s13] =	ssyncadd.s32 $0xFFFFFF80  }
0x36: {  	_ =	swait.ge [sflag:s13], $0x80  }
.Ltmp1:
0x37: {  	[sflag:s13] =	ssyncset.done $0x0;
	(pc) =	sbr.rel @p0 .LBB2_1-.Ltmp1, $4  }
0x38: {  	[sflag:s13] =	ssyncadd.s32 $0xFFFFFF80  }
0x39: {  	[hbm4b:s14+s2] =	stream.linear.scatter [tilespmem:s7], [sflag:$0x2], $0x200, $0x38;
	[tilespmem:$0x400] =	vst v63  }
0x3a: {  	_ =	swait.ge [sflag:s3], $0x200  }
0x3b: {  	[sflag:s3] =	ssyncset.done $0x0  }
.LBB2_2:
0x3c: {  	[sflag:s3] =	ssyncadd.s32 $0xFFFFFE00  }
0x3d: {  	_ =	sfence.sel $0x180000  }
0x3e: {  	[bflag:$0x0] =	sbarrier.arrive $0xFFFF  }
0x3f: {  	p0 =	sne.s32 s1, $0x0;
	_ =	strace $0x90000047  }
0x40: {  	s0 =	sadd.s32 @!p0 $0x100000, s0;
	[bflag:$0x2] =	sbarrier.arrive $0xFFFF  }
0x41: {  	[sflag:s0] =	ssyncadd.tile.s32 @!p0 $0x1;
	_ =	shalt  }
.Lfunc_end2:
_tile_overlayer_lowered:
.L_overlay_start_2:
0x42: {  	(tag) =	ssettag $0x2  }
0x43: {  	s0 =	rddreg [dreg:$0x0];
	s2 =	stileid.u32  }
0x44: {  	s1 =	rddreg [dreg:$0x1];
	p0 =	sne.s32 s2, $0x0  }
0x45: {  	s3 =	rddreg [dreg:$0x2];
	[bflag:$0x3] =	sbarrier.arrive $0xFFFF;
	s2 =	simm.s32 @!p0 $0x1C02  }
0x46: {  	[timem:s3], [sflag:s2] =	dma.local @!p0 [hbm:s0], s1  }
0x47: {  	s0 =	simm.s32 @!p0 $0x2  }
0x48: {  	_ =	swait.ge @!p0 [sflag:s0], s1  }
0x49: {  	s1 =	ssub.s32 @!p0 $0x0, s1;
	[sflag:s0] =	ssyncset.done @!p0 $0x0  }
0x4a: {  	[sflag:s0] =	ssyncadd.s32 @!p0 s1  }
0x4b: {  	[bflag:$0x3] =	sbarrier.arrive $0xFFFF  }
0x4c: {  	_ =	shalt  }

// kernel: kernel.9.cloned.1.call-start
scs
__scs_entry_jumppad:
0x0: {  	(pc) =	sbr.rel $0x88, $3  }
0x1: {  	(tag) =	ssettag $0x0;
	lr =	simm.s32 $0x1  }
0x2: {  	[smem:$0x3F9B] =	sst lr;
	_ =	strace $0xD0000000  }
0x3: {  	_ = 	snop  }
0x4: {  	_ = 	snop  }
0x5: {  	_ = 	snop  }
0x6: {  	_ = 	snop  }
0x7: {  	_ = 	snop  }
__scs_overlays_trampoline_lowered:
0x8: {  	[smem:$0x3FAA] =	sst s0  }
0x9: {  	[smem:$0x3FAB] =	sst s1  }
0xa: {  	[smem:$0x3FAC] =	sst s2  }
0xb: {  	[smem:$0x3FAD] =	sst s3  }
0xc: {  	[smem:$0x3FAE] =	sst s4  }
0xd: {  	[smem:$0x3FAF] =	sst s5  }
0xe: {  	[smem:$0x3FB0] =	sst s6  }
0xf: {  	[smem:$0x3FB1] =	sst s7  }
0x10: {  	[smem:$0x3FB2] =	sst s8  }
0x11: {  	[smem:$0x3FB3] =	sst s9;
	s0 =	simm.s32 @!p0 $0x0  }
0x12: {  	s1 =	sld [smem:$0x3F99];
	s0 =	simm.s32 @p0 $0x1  }
0x13: {  	[smem:$0x3FB4] =	sst s0;
	s0 =	simm.s32 @!p1 $0x0  }
0x14: {  	s2 =	sld [smem:$0x3F98];
	s0 =	simm.s32 @p1 $0x1  }
0x15: {  	[smem:$0x3FB5] =	sst s0;
	s0 =	simm.s32 @!p2 $0x0  }
0x16: {  	s3 =	sld [smem:$0x3FDB];
	s0 =	simm.s32 @p2 $0x1  }
0x17: {  	s4 =	simm.s32 $0x1BF5;
	[smem:$0x3FB7] =	sst s0  }
0x18: {  	s0 =	sld [smem:$0x3F9A];
	_ =	swait.ge [sflag:s4], $0x0  }
0x19: {  	s7 =	sld [smem:$0x3F9B]  }
0x1a: {  	s8 =	sadd.s32 $0xFFFFE003, lr  }
0x1b: {  	s9 =	sadd.s32 $0xFFFFFEF7, lr;
	s5 =	simm.s32 $0xFFFFFFFF;
	p2 =	slt.u32 s8, $0xFFFFF086  }
0x1c: {  	p1 =	slt.u32 s9, $0xF7A;
	s5 =	simm.s32 @!p2 $0x0  }
0x1d: {  	s5 =	simm.s32 @p1 $0x1;
	p0 =	seq.s32 s7, s2  }
0x1e: {  	s7 =	smul.u32 @!p0 $0xF7A, s2;
	p2 =	seq.s32 @!p0 s5, $0x0  }
0x1f: {  	s9 =	smul.u32 $0xF7A, s1;
	s8 =	simm.s32 @!p0 $0x1BF5;
	p2 =	por !p2, p0  }
0x20: {  	[sflag:s8] =	ssyncset.s32 @!p0 $0xFFFFF086;
	s6 =	sadd.s32 @!p0 s3, s7;
	s7 =	simm.s32 @!p0 $0x108  }
0x21: {  	s3 =	sadd.s32 s3, s9;
	s6 =	sadd.s32 @!p0 $0x88, s6;
	s7 =	simm.s32 @p2 $0x1082  }
0x22: {  	[simem:s7], [sflag:s8] =	dma.local @!p0 [hbm:s6], $0xF7A  }
0x23: {  	s9 =	sor.u32 $0xD0000000, s2;
	s6 =	simm.s32 $0x108;
	_ =	swait.ge @!p0 [sflag:s8], $0x0  }
0x24: {  	s3 =	sadd.s32 $0x88, s3;
	s6 =	simm.s32 @!p1 $0x1082;
	[sflag:s4] =	ssyncset.s32 $0xFFFFF086  }
0x25: {  	[simem:s6], [sflag:s4] =	dma.local [hbm:s3], $0xF7A  }
0x26: {  	[smem:$0x3F9B] =	sst s1;
	(tag) =	ssettag s2;
	_ =	strace s9  }
0x27: {  	s1 =	sld [smem:$0x3FAB]  }
0x28: {  	s2 =	sld [smem:$0x3FAC]  }
0x29: {  	s4 =	sld [smem:$0x3FAE]  }
0x2a: {  	p0 =	seq.s32 s5, $0x0;
	s5 =	sld [smem:$0x3FAF]  }
0x2b: {  	s6 =	sld [smem:$0x3FB0]  }
0x2c: {  	s7 =	sld [smem:$0x3FB1]  }
0x2d: {  	s3 =	simm.s32 $0x108;
	s8 =	sld [smem:$0x3FB2]  }
0x2e: {  	s3 =	simm.s32 @!p0 $0x1082;
	s9 =	sld [smem:$0x3FB3]  }
0x2f: {  	lr =	sadd.s32 s0, s3;
	s0 =	sld [smem:$0x3FAA]  }
0x30: {  	s3 =	sld [smem:$0x3FAD]  }
0x31: {  	[smem:$0x3FB6] =	sst s10  }
0x32: {  	s10 =	sld [smem:$0x3FB4];
	_ =	sdelay $0x3  }
0x33: {  	p0 =	seq.s32 s10, $0x1;
	s10 =	sld [smem:$0x3FB6];
	_ =	sdelay $0x3  }
0x34: {  	[smem:$0x3FB6] =	sst s10  }
0x35: {  	s10 =	sld [smem:$0x3FB5];
	_ =	sdelay $0x3  }
0x36: {  	p1 =	seq.s32 s10, $0x1;
	s10 =	sld [smem:$0x3FB6];
	_ =	sdelay $0x3  }
0x37: {  	[smem:$0x3FB6] =	sst s10  }
0x38: {  	s10 =	sld [smem:$0x3FB7]  }
0x39: {  	_ = 	snop;
	(pc) =	sbr.ind lr, $3  }
0x3a: {  	_ = 	snop  }
0x3b: {  	_ = 	snop  }
0x3c: {  	p2 =	seq.s32 s10, $0x1;
	s10 =	sld [smem:$0x3FB6]  }
0x3d: {  	_ =	shalt  }
0x3e: {  	_ =	shalt  }
0x3f: {  	_ =	shalt  }
0x40: {  	_ =	shalt  }
0x41: {  	_ =	shalt  }
0x42: {  	_ =	shalt  }
0x43: {  	_ =	shalt  }
0x44: {  	_ =	shalt  }
0x45: {  	_ =	shalt  }
0x46: {  	_ =	shalt  }
0x47: {  	_ =	shalt  }
0x48: {  	_ =	shalt  }
0x49: {  	_ =	shalt  }
0x4a: {  	_ =	shalt  }
0x4b: {  	_ =	shalt  }
0x4c: {  	_ =	shalt  }
0x4d: {  	_ =	shalt  }
0x4e: {  	_ =	shalt  }
0x4f: {  	_ =	shalt  }
0x50: {  	_ =	shalt  }
0x51: {  	_ =	shalt  }
0x52: {  	_ =	shalt  }
0x53: {  	_ =	shalt  }
0x54: {  	_ =	shalt  }
0x55: {  	_ =	shalt  }
0x56: {  	_ =	shalt  }
0x57: {  	_ =	shalt  }
0x58: {  	_ =	shalt  }
0x59: {  	_ =	shalt  }
0x5a: {  	_ =	shalt  }
0x5b: {  	_ =	shalt  }
0x5c: {  	_ =	shalt  }
0x5d: {  	_ =	shalt  }
0x5e: {  	_ =	shalt  }
0x5f: {  	_ =	shalt  }
0x60: {  	_ =	shalt  }
0x61: {  	_ =	shalt  }
0x62: {  	_ =	shalt  }
0x63: {  	_ =	shalt  }
0x64: {  	_ =	shalt  }
0x65: {  	_ =	shalt  }
0x66: {  	_ =	shalt  }
0x67: {  	_ =	shalt  }
0x68: {  	_ =	shalt  }
0x69: {  	_ =	shalt  }
0x6a: {  	_ =	shalt  }
0x6b: {  	_ =	shalt  }
0x6c: {  	_ =	shalt  }
0x6d: {  	_ =	shalt  }
0x6e: {  	_ =	shalt  }
0x6f: {  	_ =	shalt  }
0x70: {  	_ =	shalt  }
0x71: {  	_ =	shalt  }
0x72: {  	_ =	shalt  }
0x73: {  	_ =	shalt  }
0x74: {  	_ =	shalt  }
0x75: {  	_ =	shalt  }
0x76: {  	_ =	shalt  }
0x77: {  	_ =	shalt  }
0x78: {  	_ =	shalt  }
0x79: {  	_ =	shalt  }
0x7a: {  	_ =	shalt  }
0x7b: {  	_ =	shalt  }
0x7c: {  	_ =	shalt  }
0x7d: {  	_ =	shalt  }
0x7e: {  	_ =	shalt  }
0x7f: {  	_ =	shalt  }
0x80: {  	_ =	shalt  }
0x81: {  	_ =	shalt  }
0x82: {  	_ =	shalt  }
0x83: {  	_ =	shalt  }
0x84: {  	_ =	shalt  }
0x85: {  	_ =	shalt  }
0x86: {  	_ =	shalt  }
0x87: {  	_ =	shalt  }
.Lfunc_end0:
.L_simem_size_0:
called_computation.1_lowered:
.L_overlay_start_0:
0x88: {  	s2 =	sld [smem:$0x3FD9]  }
0x89: {  	s3 =	sld [smem:$0x3FFE];
	_ =	sdelay $0x1  }
0x8a: {  	s1 =	srdreg.scid  }
0x8b: {  	s0 =	sand.u32 $0x1, s1  }
0x8c: {  	s17 =	sshll.u32 s0, $0xA;
	s2 =	sadd.s32 s3, s2  }
0x8d: {  	s2 =	sadd.s32 s2, s17  }
0x8e: {  	[smem:$0x3FC2] =	sst s2  }
0x8f: {  	_ = 	snop  }
0x90: {  	s2 =	sld [smem:$0x3FC9]  }
0x91: {  	s18 =	sld [smem:$0x3FD0];
	(tm) =	ssettm $0x1  }
0x92: {  	s4 =	sld [smem:$0x3FFB];
	_ =	sdelay $0x3  }
0x93: {  	_ =	strace s4  }
0x94: {  	s4 =	sld [smem:$0x3FFC];
	_ =	sdelay $0x3  }
0x95: {  	_ =	strace s4  }
0x96: {  	s4 =	sld [smem:$0x3FFD];
	_ =	sdelay $0x3  }
0x97: {  	_ =	strace s4  }
0x98: {  	_ =	strace $0x8FFFFFFF  }
0x99: {  	s19 =	sld [smem:$0x3FDB];
	_ =	sdelay $0x1  }
0x9a: {  	s5 =	simm.s32 $_scs_section_size  }
0x9b: {  	s6 =	simm.s32 $_size__tile_overlayer_lowered;
	s7 =	simm.s32 $_tile_overlayer_lowered  }
0x9c: {  	s22 =	simm.s32 $0x1BFF;
	s21 =	sshll.u32 s7, $0x1;
	s4 =	sadd.s32 s5, s19  }
0x9d: {  	s8 =	simm.s32 $0x0;
	s20 =	sshll.u32 s6, $0x1;
	s6 =	sadd.s32 s21, s4  }
0x9e: {  	[timem:s8], [sflag:s22] =	dma.local [hbm:s6], s20  }
0x9f: {  	_ =	swait.ge [sflag:s22], s20  }
0xa0: {  	s5 =	ssub.s32 $0x0, s20;
	[sflag:s22] =	ssyncset.done $0x0  }
0xa1: {  	[sflag:s22] =	ssyncadd.s32 s5;
	_ =	sdelay $0x1  }
0xa2: {  	s23 =	simm.s32 $0x1B8B  }
0xa3: {  	_ =	swait.ge [sflag:s23], $0x1  }
0xa4: {  	[sflag:s23] =	ssyncset.done $0x0  }
0xa5: {  	s25 =	simm.s32 $0x1B8E;
	s24 =	sld [smem:$0x3FFE];
	[sflag:s23] =	ssyncadd.s32 $0xFFFFFFFF  }
0xa6: {  	s26 =	simm.s32 $execute0_lowered;
	[smem:$0x3FD2] =	sst s25  }
0xa7: {  	s6 =	sshll.u32 s26, $0x1;
	_ =	strace $0x80000049;
	[dreg:$0x1] =	wrdreg $0xFFFFFFFF  }
0xa8: {  	s28 =	simm.s32 $_size_execute0_lowered;
	s4 =	sadd.s32 s4, s6;
	[dreg:$0x0] =	wrdreg $0x0  }
0xa9: {  	s6 =	sshll.u32 s28, $0x1;
	[dreg:$0x2] =	wrdreg s4  }
0xaa: {  	[dreg:$0x3] =	wrdreg s6  }
0xab: {  	[dreg:$0x4] =	wrdreg $0xC0  }
0xac: {  	_ =	task [dreg:s8], $0x5FFFF  }
0xad: {  	[dreg:$0x1] =	wrdreg $0xFFFFFFFF  }
0xae: {  	[dreg:$0x0] =	wrdreg $0x60  }
0xaf: {  	[dreg:$0x2] =	wrdreg s2  }
0xb0: {  	[dreg:$0x3] =	wrdreg s24  }
0xb1: {  	[dreg:$0x4] =	wrdreg s18  }
0xb2: {  	[dreg:$0x5] =	wrdreg $0x9  }
0xb3: {  	_ =	task.clear_ibuf [dreg:s8], $0x6FFFF;
	_ =	strace $0x90000049  }
0xb4: {  	s29 =	simm.s32 $0x9;
	_ =	strace $0x8000004B  }
0xb5: {  	_ =	swait.ge [sflag:s29], $0x1  }
0xb6: {  	[sflag:s29] =	ssyncadd.s32 $0xFFFFFFFF  }
0xb7: {  	_ =	strace $0x9000004B  }
0xb8: {  	_ =	sfence  }
0xb9: {  	s30 =	sld [smem:$0x0];
	_ =	sdelay $0x2  }
0xba: {  	s31 =	sshll.u32 s1, $0xD;
	s1 =	sshrl.u32 s1, $0x2  }
0xbb: {  	s3 =	sand.u32 $0x4000, s31;
	s1 =	sadd.s32 s1, s30  }
0xbc: {  	s0 =	sor.u32 s3, s0;
	s1 =	sshll.u32 s1, $0x11  }
0xbd: {  	s0 =	sor.u32 s1, s0  }
0xbe: {  	s0 =	sadd.s32 $0x8F2B, s0  }
0xbf: {  	[sflag:s0] =	ssyncadd.remote.s32 $0x1  }
0xc0: {  	_ =	sfence.sel $0xFFFF  }
0xc1: {  	[dreg:$0x0] =	wrdreg $0xFFFFFFFF;
	(pc) =	sbr.abs _section_cstart, $3  }
0xc2: {  	[dreg:$0x1] =	wrdreg $0xFFFFFFFF  }
0xc3: {  	_ =	task.clear_ibuf [dreg:s8], $0x2FFFF;
	_ =	strace $0x9FFFFFFF  }
0xc4: {  	(tm) =	ssettm $0x7FFFFFFF  }
0xc5: {  	_ =	shalt  }
tec
execute0_lowered:
.L_overlay_start_1:
0x0: {  	(tag) =	ssettag $0x1  }
0x1: {  	s4 =	rddreg [dreg:$0x0]  }
0x2: {  	s5 =	rddreg [dreg:$0x1]  }
0x3: {  	s6 =	rddreg [dreg:$0x2]  }
0x4: {  	s0 =	rddreg [dreg:$0x3];
	s3 =	srdreg.scid  }
0x5: {  	s2 =	simm.s32 $0x0;
	s1 =	stileid.u32;
	s10 =	simm.s32 $0x80  }
0x6: {  	s11 =	simm.s32 $0x200;
	s12 =	simm.s32 $0x280;
	s13 =	simm.s32 $0x100  }
0x7: {  	s14 =	simm.s32 $0x300;
	s15 =	simm.s32 $0x180;
	s16 =	simm.s32 $0x380  }
0x8: {  	s17 =	simm.s32 $0x1;
	s3 =	sand.u32 $0x1, s3;
	[smem:$0x7FF] =	sst s2  }
0x9: {  	s7 =	sshll.u32 s1, $0x7;
	s8 =	sshll.u32 s3, $0x6;
	s31 =	ssub.s32 $0x2, s3  }
0xa: {  	_ =	strace $0x8000004A;
	s7 =	sor.u32 s8, s7;
	s9 =	sshrl.u32 s31, $0x1  }
0xb: {  	s3 =	sadd.s32 $0x4A00, s5;
	s5 =	sadd.s32 s7, s5;
	s8 =	ssub.s32 s31, s9  }
0xc: {  	s4 =	sadd.s32 s4, s7;
	s6 =	sadd.s32 s6, s7;
	s9 =	simm.s32 $0x400  }
0xd: {  	s5 =	sadd.s32 $0x4200, s5;
	s7 =	smax.u32 s8, $0x1;
	s8 =	simm.s32 $0x2  }
.LBB2_1:
0xe: {  	[tilespmem:s2], [sflag:$0x2] =	stream.linear.gather [hbm4b:s4+s2], $0x200, $0x38;
	[tilespmem:$0x600] =	vst v63  }
0xf: {  	_ =	swait.ge [sflag:s8], $0x200  }
0x10: {  	[sflag:s8] =	ssyncset.done $0x0  }
0x11: {  	[sflag:s8] =	ssyncadd.s32 $0xFFFFFE00  }
0x12: {  	[tilespmem:s9], [sflag:$0x2] =	stream.linear.gather [hbm4b:s5+s2], $0x200, $0x38;
	[tilespmem:$0x600] =	vst v63  }
0x13: {  	_ =	swait.ge [sflag:s8], $0x200  }
0x14: {  	[sflag:s8] =	ssyncset.done $0x0  }
0x15: {  	[sflag:s8] =	ssyncadd.s32 $0xFFFFFE00  }
0x16: {  	[tilespmem:s11], [sflag:$0x1] =	stream.indirect.gather [hbm4b:s3+s10], $0x1, s2, s10, $0xb8;
	[tilespmem:$0x600] =	vst v63  }
0x17: {  	_ = 	snop  }
0x18: {  	[tilespmem:s12], [sflag:$0x1] =	stream.indirect.gather [hbm4b:s3+s10], $0x1, s10, s10, $0xb8;
	[tilespmem:$0x600] =	vst v63  }
0x19: {  	_ = 	snop  }
0x1a: {  	[tilespmem:s14], [sflag:$0x1] =	stream.indirect.gather [hbm4b:s3+s10], $0x1, s13, s10, $0xb8;
	[tilespmem:$0x600] =	vst v63  }
0x1b: {  	_ = 	snop  }
0x1c: {  	[tilespmem:s16], [sflag:$0x1] =	stream.indirect.gather [hbm4b:s3+s10], $0x1, s15, s10, $0xb8;
	[tilespmem:$0x600] =	vst v63  }
0x1d: {  	_ =	swait.ge [sflag:s17], $0x80  }
0x1e: {  	[sflag:s17] =	ssyncset.done $0x0  }
0x1f: {  	[sflag:s17] =	ssyncadd.s32 $0xFFFFFF80  }
0x20: {  	_ =	swait.ge [sflag:s17], $0x80  }
0x21: {  	[sflag:s17] =	ssyncset.done $0x0  }
0x22: {  	[sflag:s17] =	ssyncadd.s32 $0xFFFFFF80  }
0x23: {  	_ =	swait.ge [sflag:s17], $0x80  }
0x24: {  	[sflag:s17] =	ssyncset.done $0x0  }
0x25: {  	[sflag:s17] =	ssyncadd.s32 $0xFFFFFF80  }
0x26: {  	_ =	swait.ge [sflag:s17], $0x80  }
0x27: {  	[sflag:s17] =	ssyncset.done $0x0  }
0x28: {  	[sflag:s17] =	ssyncadd.s32 $0xFFFFFF80  }
0x29: {  	v0 =	vld [tilespmem:$0x200]  }
0x2a: {  	v1 =	vld [tilespmem:$0x400]  }
0x2b: {  	v2 =	vld [tilespmem:$0x210]  }
0x2c: {  	v3 =	vld [tilespmem:$0x410]  }
0x2d: {  	v4 =	vld [tilespmem:$0x220]  }
0x2e: {  	v5 =	vld [tilespmem:$0x420]  }
0x2f: {  	v6 =	vld [tilespmem:$0x230]  }
0x30: {  	v7 =	vld [tilespmem:$0x430]  }
0x31: {  	v8 =	vld [tilespmem:$0x240]  }
0x32: {  	v9 =	vld [tilespmem:$0x440]  }
0x33: {  	v10 =	vld [tilespmem:$0x250]  }
0x34: {  	v11 =	vld [tilespmem:$0x450]  }
0x35: {  	v12 =	vld [tilespmem:$0x260]  }
0x36: {  	v13 =	vld [tilespmem:$0x460]  }
0x37: {  	v14 =	vld [tilespmem:$0x270]  }
0x38: {  	v15 =	vld [tilespmem:$0x470]  }
0x39: {  	v16 =	vld [tilespmem:$0x280]  }
0x3a: {  	v17 =	vld [tilespmem:$0x480]  }
0x3b: {  	v18 =	vld [tilespmem:$0x290]  }
0x3c: {  	v19 =	vld [tilespmem:$0x490]  }
0x3d: {  	v20 =	vld [tilespmem:$0x2A0]  }
0x3e: {  	v21 =	vld [tilespmem:$0x4A0]  }
0x3f: {  	v22 =	vld [tilespmem:$0x2B0]  }
0x40: {  	v23 =	vld [tilespmem:$0x4B0]  }
0x41: {  	v24 =	vld [tilespmem:$0x2C0]  }
0x42: {  	v25 =	vld [tilespmem:$0x4C0]  }
0x43: {  	v26 =	vld [tilespmem:$0x2D0]  }
0x44: {  	v27 =	vld [tilespmem:$0x4D0]  }
0x45: {  	v28 =	vld [tilespmem:$0x2E0]  }
0x46: {  	v29 =	vld [tilespmem:$0x4E0]  }
0x47: {  	v30 =	vld [tilespmem:$0x2F0]  }
0x48: {  	v31 =	vld [tilespmem:$0x4F0]  }
0x49: {  	v32 =	vld [tilespmem:$0x300]  }
0x4a: {  	v33 =	vld [tilespmem:$0x500]  }
0x4b: {  	v34 =	vld [tilespmem:$0x310]  }
0x4c: {  	v35 =	vld [tilespmem:$0x510]  }
0x4d: {  	v36 =	vld [tilespmem:$0x320]  }
0x4e: {  	v46 =	vld [tilespmem:$0x520];
	v0 =	vadd.f32 v1, v0  }
0x4f: {  	v47 =	vld [tilespmem:$0x330];
	v2 =	vadd.f32 v3, v2  }
0x50: {  	v49 =	vld [tilespmem:$0x530];
	v48 =	vadd.f32 v5, v4;
	[tilespmem:$0x200] =	vst v0  }
0x51: {  	v51 =	vld [tilespmem:$0x340];
	v50 =	vadd.f32 v7, v6;
	[tilespmem:$0x210] =	vst v2  }
0x52: {  	v53 =	vld [tilespmem:$0x540];
	v52 =	vadd.f32 v9, v8;
	[tilespmem:$0x220] =	vst v48  }
0x53: {  	v55 =	vld [tilespmem:$0x350];
	v54 =	vadd.f32 v11, v10;
	[tilespmem:$0x230] =	vst v50  }
0x54: {  	v57 =	vld [tilespmem:$0x550];
	v56 =	vadd.f32 v13, v12;
	[tilespmem:$0x240] =	vst v52  }
0x55: {  	v59 =	vld [tilespmem:$0x360];
	v58 =	vadd.f32 v15, v14;
	[tilespmem:$0x250] =	vst v54  }
0x56: {  	v61 =	vld [tilespmem:$0x560];
	v60 =	vadd.f32 v17, v16;
	[tilespmem:$0x260] =	vst v56  }
0x57: {  	v63 =	vld [tilespmem:$0x370];
	v62 =	vadd.f32 v19, v18;
	[tilespmem:$0x270] =	vst v58  }
0x58: {  	v37 =	vld [tilespmem:$0x3A0];
	v20 =	vadd.f32 v21, v20;
	[tilespmem:$0x280] =	vst v60  }
0x59: {  	v39 =	vld [tilespmem:$0x5A0];
	v22 =	vadd.f32 v23, v22;
	[tilespmem:$0x290] =	vst v62  }
0x5a: {  	v41 =	vld [tilespmem:$0x3B0];
	v24 =	vadd.f32 v25, v24;
	[tilespmem:$0x2A0] =	vst v20  }
0x5b: {  	v43 =	vld [tilespmem:$0x5B0];
	v26 =	vadd.f32 v27, v26;
	[tilespmem:$0x2B0] =	vst v22  }
0x5c: {  	v45 =	vld [tilespmem:$0x3C0];
	v28 =	vadd.f32 v29, v28;
	[tilespmem:$0x2C0] =	vst v24  }
0x5d: {  	v21 =	vld [tilespmem:$0x570];
	v31 =	vadd.f32 v31, v30;
	[tilespmem:$0x2D0] =	vst v26  }
0x5e: {  	v23 =	vld [tilespmem:$0x380];
	v38 =	vadd.f32 v33, v32;
	[tilespmem:$0x2E0] =	vst v28  }
0x5f: {  	v25 =	vld [tilespmem:$0x580];
	v40 =	vadd.f32 v35, v34;
	[tilespmem:$0x2F0] =	vst v31  }
0x60: {  	v27 =	vld [tilespmem:$0x390];
	v42 =	vadd.f32 v46, v36;
	[tilespmem:$0x300] =	vst v38  }
0x61: {  	v29 =	vld [tilespmem:$0x590];
	v44 =	vadd.f32 v49, v47;
	[tilespmem:$0x310] =	vst v40  }
0x62: {  	v46 =	vadd.f32 v53, v51;
	v47 =	vld [tilespmem:$0x5C0];
	[tilespmem:$0x320] =	vst v42  }
0x63: {  	v49 =	vld [tilespmem:$0x3D0];
	v1 =	vadd.f32 v43, v41;
	[tilespmem:$0x330] =	vst v44  }
0x64: {  	v51 =	vld [tilespmem:$0x5D0];
	v48 =	vadd.f32 v57, v55;
	[tilespmem:$0x340] =	vst v46  }
0x65: {  	v53 =	vld [tilespmem:$0x3E0];
	v50 =	vadd.f32 v61, v59;
	[tilespmem:$0x3B0] =	vst v1  }
0x66: {  	v55 =	vld [tilespmem:$0x5E0];
	v58 =	vadd.f32 v39, v37;
	[tilespmem:$0x350] =	vst v48  }
0x67: {  	v57 =	vld [tilespmem:$0x3F0];
	[tilespmem:$0x360] =	vst v50;
	v52 =	vadd.f32 v21, v63  }
0x68: {  	v59 =	vld [tilespmem:$0x5F0];
	[tilespmem:$0x3A0] =	vst v58;
	v54 =	vadd.f32 v25, v23  }
0x69: {  	v56 =	vadd.f32 v29, v27;
	[tilespmem:$0x370] =	vst v52  }
0x6a: {  	v60 =	vadd.f32 v47, v45;
	[tilespmem:$0x380] =	vst v54  }
0x6b: {  	v61 =	vadd.f32 v51, v49;
	[tilespmem:$0x390] =	vst v56  }
0x6c: {  	[tilespmem:$0x3C0] =	vst v60;
	v62 =	vadd.f32 v55, v53  }
0x6d: {  	[tilespmem:$0x3D0] =	vst v61;
	v63 =	vadd.f32 v59, v57  }
0x6e: {  	p0 =	sne.s32 s7, $0x1;
	[tilespmem:$0x3E0] =	vst v62  }
.Ltmp0:
0x6f: {  	[tilespmem:$0x3F0] =	vst v63;
	(pc) =	sbr.rel @p0 .LBB2_1-.Ltmp0, $4  }
0x70: {  	[hbm4b:s6+s2] =	stream.linear.scatter [tilespmem:s11], [sflag:$0x2], $0x200, $0x38;
	[tilespmem:$0x600] =	vst v63  }
0x71: {  	_ =	swait.ge [sflag:s8], $0x200  }
0x72: {  	[sflag:s8] =	ssyncset.done $0x0  }
0x73: {  	s7 =	sadd.s32 $0xFFFFFFFF, s7;
	[sflag:s8] =	ssyncadd.s32 $0xFFFFFE00  }
0x74: {  	_ =	sfence.sel $0x180000  }
0x75: {  	[bflag:$0x0] =	sbarrier.arrive $0xFFFF  }
0x76: {  	p0 =	sne.s32 s1, $0x0;
	_ =	strace $0x9000004A  }
0x77: {  	s0 =	sadd.s32 @!p0 $0x100000, s0;
	[bflag:$0x2] =	sbarrier.arrive $0xFFFF  }
0x78: {  	[sflag:s0] =	ssyncadd.tile.s32 @!p0 $0x1;
	_ =	shalt  }
.Lfunc_end2:
_tile_overlayer_lowered:
.L_overlay_start_2:
0x79: {  	(tag) =	ssettag $0x2  }
0x7a: {  	s0 =	rddreg [dreg:$0x0];
	s2 =	stileid.u32  }
0x7b: {  	s1 =	rddreg [dreg:$0x1];
	p0 =	sne.s32 s2, $0x0  }
0x7c: {  	s3 =	rddreg [dreg:$0x2];
	[bflag:$0x3] =	sbarrier.arrive $0xFFFF;
	s2 =	simm.s32 @!p0 $0x1C02  }
0x7d: {  	[timem:s3], [sflag:s2] =	dma.local @!p0 [hbm:s0], s1  }
0x7e: {  	s0 =	simm.s32 @!p0 $0x2  }
0x7f: {  	_ =	swait.ge @!p0 [sflag:s0], s1  }
0x80: {  	s1 =	ssub.s32 @!p0 $0x0, s1;
	[sflag:s0] =	ssyncset.done @!p0 $0x0  }
0x81: {  	[sflag:s0] =	ssyncadd.s32 @!p0 s1  }
0x82: {  	[bflag:$0x3] =	sbarrier.arrive $0xFFFF  }
0x83: {  	_ =	shalt  }

</sc_bundles>
